<compile_context>
chip_gen: v7x
topology: tpu7x:2x2x1
jax: 0.10.2.dev20260603
libtpu: 0.0.44.dev20260713+nightly
codegen_flags: <defaults>
</compile_context>

<pallas_src>
import functools

import jax
import jax.numpy as jnp
from jax import lax
from jax.experimental import pallas as pl
from jax.experimental.pallas import tpu as pltpu
from jax.experimental.pallas import tpu_sc as plsc

N_NODES = 10000
N_EDGES = 160000
D_FEAT = 256
DH = 128
NC = 2
NS = 16
L = 16
PAD_ROWS = 8
E_PAD = 163840
E_PER_TILE = E_PAD // NS
BATCH = 64
NB = E_PER_TILE // BATCH
NBUF = 4
ROWS_PER_TILE = N_NODES // NS
ZROWS = 25


def _mp_body(src4, dst4, x2, out, srcb, dstb, rows, zbuf, acc, *sems):
    gsems = sems[:NBUF]
    isems = sems[NBUF:2 * NBUF]
    dsems = sems[2 * NBUF:3 * NBUF]
    ssems = sems[3 * NBUF:]
    cid = lax.axis_index("c")
    sid = lax.axis_index("s")

    def i_start(j, q):
        pltpu.make_async_copy(src4.at[cid, sid, j], srcb.at[q], isems[q]).start()

    def i_wait(q):
        pltpu.make_async_copy(src4.at[cid, sid, 0], srcb.at[q], isems[q]).wait()

    def d_start(j, q):
        pltpu.make_async_copy(dst4.at[sid, j], dstb.at[q], dsems[q]).start()

    def d_wait(q):
        pltpu.make_async_copy(dst4.at[sid, 0], dstb.at[q], dsems[q]).wait()

    def g_start(j, q):
        pltpu.make_async_copy(x2.at[srcb.at[q]], rows.at[q], gsems[q]).start()

    def g_wait(q):
        pltpu.make_async_copy(x2.at[srcb.at[0]], rows.at[q], gsems[q]).wait()

    def s_start(q):
        pltpu.make_async_copy(rows.at[q], acc.at[dstb.at[q]],
                              ssems[q]).start(add=True)

    def s_wait(q):
        pltpu.make_async_copy(rows.at[q], acc.at[dstb.at[q]], ssems[q]).wait()

    i_start(0, 0)
    i_start(1, 1)
    i_start(2, 2)
    d_start(0, 0)
    d_start(1, 1)
    i_wait(0)
    g_start(0, 0)
    i_wait(1)
    g_start(1, 1)

    zero = jnp.zeros((L,), jnp.float32)

    def zfill(i, _):
        for c in range(DH // L):
            zbuf[i, pl.ds(c * L, L)] = zero
        return 0

    lax.fori_loop(0, ZROWS, zfill, 0)

    def zcopy(k, _):
        pltpu.sync_copy(zbuf, acc.at[pl.ds(sid * ROWS_PER_TILE + k * ZROWS, ZROWS)])
        return 0

    lax.fori_loop(0, ROWS_PER_TILE // ZROWS, zcopy, 0)
    plsc.subcore_barrier()

    def body(jo, _):
        for u in range(NBUF):
            j = jo * NBUF + u
            g_wait(u)

            @pl.when(j + 2 < NB)
            def _():
                q = (u + 2) % NBUF
                i_wait(q)

                @pl.when(j >= 2)
                def _():
                    s_wait(q)

                g_start(j + 2, q)
                d_start(j + 2, q)

            d_wait(u)
            s_start(u)

            @pl.when(j + 3 < NB)
            def _():
                i_start(j + 3, (u + 3) % NBUF)
        return 0

    lax.fori_loop(0, NB // NBUF, body, 0)
    for u in range(NBUF):
        s_wait(u)
    plsc.subcore_barrier()

    r0 = pl.multiple_of(sid * 624, 8)
    c0 = pl.multiple_of(cid * DH, DH)
    pltpu.sync_copy(acc.at[pl.ds(r0, 624)],
                    out.at[pl.ds(r0, 624), pl.ds(c0, DH)])

    @pl.when(sid == NS - 1)
    def _():
        r1 = pl.multiple_of((NS - 1) * 624 + 624, 8)
        pltpu.sync_copy(acc.at[pl.ds(r1, 16)],
                        out.at[pl.ds(r1, 16), pl.ds(c0, DH)])


_mp_kernel = functools.partial(
    pl.kernel,
    mesh=plsc.VectorSubcoreMesh(core_axis_name="c", subcore_axis_name="s"),
    out_type=jax.ShapeDtypeStruct((N_NODES, D_FEAT), jnp.float32),
    scratch_types=[
        pltpu.VMEM((NBUF, BATCH), jnp.int32),
        pltpu.VMEM((NBUF, BATCH), jnp.int32),
        pltpu.VMEM((NBUF, BATCH, DH), jnp.float32),
        pltpu.VMEM((ZROWS, DH), jnp.float32),
        pltpu.VMEM_SHARED((N_NODES + PAD_ROWS, DH), jnp.float32),
    ] + [pltpu.SemaphoreType.DMA] * (4 * NBUF),
)(_mp_body)


@jax.jit
def kernel(x, edge_index):
    x2 = x.reshape(N_NODES * 2, DH)
    pad = jnp.arange(E_PAD - N_EDGES, dtype=jnp.int32)
    src = jnp.concatenate([edge_index[1], pad % N_NODES])
    src4 = (2 * src + jnp.array([[0], [1]], jnp.int32)).reshape(NC, NS, NB, BATCH)
    dst4 = jnp.concatenate(
        [edge_index[0], N_NODES + pad % PAD_ROWS]).reshape(NS, NB, BATCH)
    return _mp_kernel(src4, dst4, x2)

# --- scband reference (transcript-rebuilt; emitter-appended) ---
"""Pipeline reference for scband-message-passing-80152679678031 (READ-ONLY COPY).

The authoritative reference and input builder live on the scoring server;
editing this copy changes nothing except your own understanding.
"""

import jax, jax.numpy as jnp
import numpy as np

N_NODES = 10000
N_EDGES = 160000
D_FEAT = 256


def setup_inputs(seed: int = 0) -> dict:
    key = jax.random.key(seed)
    k1, k2 = jax.random.split(key)
    x = jax.random.normal(k1, (N_NODES, D_FEAT), dtype=jnp.float32)
    edge_index = jax.random.randint(k2, (2, N_EDGES), 0, N_NODES, dtype=jnp.int32)
    return {"x": x, "edge_index": edge_index}


def reference(x, edge_index):
    # flow='target_to_source' -> i, j = (0, 1)
    # message(x_j) = x gathered at edge_index[j=1]
    msg = jnp.take(x, edge_index[1], axis=0)
    # scatter with reduce='add' onto edge_index[i=0], dim_size = N_NODES
    out = jax.ops.segment_sum(msg, edge_index[0], num_segments=N_NODES)
    # update(aggr_out) = aggr_out (identity)
    return out

if __name__ == "__main__":
    import jax
    _d = setup_inputs()
    print(jax.jit(kernel)(*tuple(_d.values())))

</pallas_src>

<mosaic_0001>
#map = affine_map<(d0, d1) -> (0, 0, 0, 0)>
#map1 = affine_map<(d0, d1) -> (0, 0, 0)>
#map2 = affine_map<(d0, d1) -> (0, 0)>
module attributes {stable_mosaic.version = 14 : i64} {
  func.func @_mp_body(%arg0: i32, %arg1: i32, %arg2: memref<2x16x160x64xi32, #tpu.memory_space<hbm>>, %arg3: memref<16x160x64xi32, #tpu.memory_space<hbm>>, %arg4: memref<20000x128xf32, #tpu.memory_space<hbm>>, %arg5: memref<10000x256xf32, #tpu.memory_space<hbm>>, %arg6: memref<4x64xi32, #tpu.memory_space<vmem>>, %arg7: memref<4x64xi32, #tpu.memory_space<vmem>>, %arg8: memref<4x64x128xf32, #tpu.memory_space<vmem>>, %arg9: memref<25x128xf32, #tpu.memory_space<vmem>>, %arg10: memref<10008x128xf32, #tpu.memory_space<vmem_shared>>, %arg11: memref<!tpu.dma_semaphore, #tpu.memory_space<semaphore_mem>>, %arg12: memref<!tpu.dma_semaphore, #tpu.memory_space<semaphore_mem>>, %arg13: memref<!tpu.dma_semaphore, #tpu.memory_space<semaphore_mem>>, %arg14: memref<!tpu.dma_semaphore, #tpu.memory_space<semaphore_mem>>, %arg15: memref<!tpu.dma_semaphore, #tpu.memory_space<semaphore_mem>>, %arg16: memref<!tpu.dma_semaphore, #tpu.memory_space<semaphore_mem>>, %arg17: memref<!tpu.dma_semaphore, #tpu.memory_space<semaphore_mem>>, %arg18: memref<!tpu.dma_semaphore, #tpu.memory_space<semaphore_mem>>, %arg19: memref<!tpu.dma_semaphore, #tpu.memory_space<semaphore_mem>>, %arg20: memref<!tpu.dma_semaphore, #tpu.memory_space<semaphore_mem>>, %arg21: memref<!tpu.dma_semaphore, #tpu.memory_space<semaphore_mem>>, %arg22: memref<!tpu.dma_semaphore, #tpu.memory_space<semaphore_mem>>, %arg23: memref<!tpu.dma_semaphore, #tpu.memory_space<semaphore_mem>>, %arg24: memref<!tpu.dma_semaphore, #tpu.memory_space<semaphore_mem>>, %arg25: memref<!tpu.dma_semaphore, #tpu.memory_space<semaphore_mem>>, %arg26: memref<!tpu.dma_semaphore, #tpu.memory_space<semaphore_mem>>) attributes {dimension_semantics = [#tpu.dimension_semantics<core_parallel>, #tpu.dimension_semantics<subcore_parallel>], iteration_bounds = array<i64: 2, 16>, scalar_prefetch = 0 : i64, scratch_operands = 21 : i64, tpu.core_type = #tpu.core_type<sc_vector_subcore>, window_params = [{transform_indices = #map}, {transform_indices = #map1}, {transform_indices = #map2}, {transform_indices = #map2}]} {
    %dma_start3A = arith.constant 0 : i32
    %dma_start3A_0 = arith.constant 0 : i32
    %dma_start3A_1 = arith.constant 0 : i32
    %dma_start3A_2 = tpu.memref_slice %arg6[%dma_start3A_0, %dma_start3A_1] : memref<4x64xi32, #tpu.memory_space<vmem>> -> memref<1x64xi32, #tpu.memory_space<vmem>>
    %dma_start3A_3 = tpu.memref_squeeze %dma_start3A_2 : memref<1x64xi32, #tpu.memory_space<vmem>> -> memref<64xi32, #tpu.memory_space<vmem>>
    %dma_start3A_4 = arith.constant 0 : i32
    %dma_start3A_5 = tpu.memref_slice %arg2[%arg0, %arg1, %dma_start3A, %dma_start3A_4] : memref<2x16x160x64xi32, #tpu.memory_space<hbm>> -> memref<1x1x1x64xi32, #tpu.memory_space<hbm>>
    %dma_start3A_6 = tpu.memref_squeeze %dma_start3A_5 : memref<1x1x1x64xi32, #tpu.memory_space<hbm>> -> memref<64xi32, #tpu.memory_space<hbm>>
    %dma_start3A_7 = arith.constant 0 : i32
    %dma_start3A_8 = tpu.memref_slice %arg6[%dma_start3A_0, %dma_start3A_7] : memref<4x64xi32, #tpu.memory_space<vmem>> -> memref<1x64xi32, #tpu.memory_space<vmem>>
    %dma_start3A_9 = tpu.memref_squeeze %dma_start3A_8 : memref<1x64xi32, #tpu.memory_space<vmem>> -> memref<64xi32, #tpu.memory_space<vmem>>
    %dma_start3A_10 = arith.constant 0 : i32
    %dma_start3A_11 = tpu.memref_slice %arg2[%arg0, %arg1, %dma_start3A, %dma_start3A_10] : memref<2x16x160x64xi32, #tpu.memory_space<hbm>> -> memref<1x1x1x64xi32, #tpu.memory_space<hbm>>
    %dma_start3A_12 = tpu.memref_squeeze %dma_start3A_11 : memref<1x1x1x64xi32, #tpu.memory_space<hbm>> -> memref<64xi32, #tpu.memory_space<hbm>>
    tpu.enqueue_dma source(%dma_start3A_12 : memref<64xi32, #tpu.memory_space<hbm>>) target(%dma_start3A_9 : memref<64xi32, #tpu.memory_space<vmem>>) target_semaphore(%arg15 : memref<!tpu.dma_semaphore, #tpu.memory_space<semaphore_mem>>)
    %dma_start3A_13 = arith.constant 1 : i32
    %dma_start3A_14 = arith.constant 1 : i32
    %dma_start3A_15 = arith.constant 0 : i32
    %dma_start3A_16 = tpu.memref_slice %arg6[%dma_start3A_14, %dma_start3A_15] : memref<4x64xi32, #tpu.memory_space<vmem>> -> memref<1x64xi32, #tpu.memory_space<vmem>>
    %dma_start3A_17 = tpu.memref_squeeze %dma_start3A_16 : memref<1x64xi32, #tpu.memory_space<vmem>> -> memref<64xi32, #tpu.memory_space<vmem>>
    %dma_start3A_18 = arith.constant 0 : i32
    %dma_start3A_19 = tpu.memref_slice %arg2[%arg0, %arg1, %dma_start3A_13, %dma_start3A_18] : memref<2x16x160x64xi32, #tpu.memory_space<hbm>> -> memref<1x1x1x64xi32, #tpu.memory_space<hbm>>
    %dma_start3A_20 = tpu.memref_squeeze %dma_start3A_19 : memref<1x1x1x64xi32, #tpu.memory_space<hbm>> -> memref<64xi32, #tpu.memory_space<hbm>>
    %dma_start3A_21 = arith.constant 0 : i32
    %dma_start3A_22 = tpu.memref_slice %arg6[%dma_start3A_14, %dma_start3A_21] : memref<4x64xi32, #tpu.memory_space<vmem>> -> memref<1x64xi32, #tpu.memory_space<vmem>>
    %dma_start3A_23 = tpu.memref_squeeze %dma_start3A_22 : memref<1x64xi32, #tpu.memory_space<vmem>> -> memref<64xi32, #tpu.memory_space<vmem>>
    %dma_start3A_24 = arith.constant 0 : i32
    %dma_start3A_25 = tpu.memref_slice %arg2[%arg0, %arg1, %dma_start3A_13, %dma_start3A_24] : memref<2x16x160x64xi32, #tpu.memory_space<hbm>> -> memref<1x1x1x64xi32, #tpu.memory_space<hbm>>
    %dma_start3A_26 = tpu.memref_squeeze %dma_start3A_25 : memref<1x1x1x64xi32, #tpu.memory_space<hbm>> -> memref<64xi32, #tpu.memory_space<hbm>>
    tpu.enqueue_dma source(%dma_start3A_26 : memref<64xi32, #tpu.memory_space<hbm>>) target(%dma_start3A_23 : memref<64xi32, #tpu.memory_space<vmem>>) target_semaphore(%arg16 : memref<!tpu.dma_semaphore, #tpu.memory_space<semaphore_mem>>)
    %dma_start3A_27 = arith.constant 2 : i32
    %dma_start3A_28 = arith.constant 2 : i32
    %dma_start3A_29 = arith.constant 0 : i32
    %dma_start3A_30 = tpu.memref_slice %arg6[%dma_start3A_28, %dma_start3A_29] : memref<4x64xi32, #tpu.memory_space<vmem>> -> memref<1x64xi32, #tpu.memory_space<vmem>>
    %dma_start3A_31 = tpu.memref_squeeze %dma_start3A_30 : memref<1x64xi32, #tpu.memory_space<vmem>> -> memref<64xi32, #tpu.memory_space<vmem>>
    %dma_start3A_32 = arith.constant 0 : i32
    %dma_start3A_33 = tpu.memref_slice %arg2[%arg0, %arg1, %dma_start3A_27, %dma_start3A_32] : memref<2x16x160x64xi32, #tpu.memory_space<hbm>> -> memref<1x1x1x64xi32, #tpu.memory_space<hbm>>
    %dma_start3A_34 = tpu.memref_squeeze %dma_start3A_33 : memref<1x1x1x64xi32, #tpu.memory_space<hbm>> -> memref<64xi32, #tpu.memory_space<hbm>>
    %dma_start3A_35 = arith.constant 0 : i32
    %dma_start3A_36 = tpu.memref_slice %arg6[%dma_start3A_28, %dma_start3A_35] : memref<4x64xi32, #tpu.memory_space<vmem>> -> memref<1x64xi32, #tpu.memory_space<vmem>>
    %dma_start3A_37 = tpu.memref_squeeze %dma_start3A_36 : memref<1x64xi32, #tpu.memory_space<vmem>> -> memref<64xi32, #tpu.memory_space<vmem>>
    %dma_start3A_38 = arith.constant 0 : i32
    %dma_start3A_39 = tpu.memref_slice %arg2[%arg0, %arg1, %dma_start3A_27, %dma_start3A_38] : memref<2x16x160x64xi32, #tpu.memory_space<hbm>> -> memref<1x1x1x64xi32, #tpu.memory_space<hbm>>
    %dma_start3A_40 = tpu.memref_squeeze %dma_start3A_39 : memref<1x1x1x64xi32, #tpu.memory_space<hbm>> -> memref<64xi32, #tpu.memory_space<hbm>>
    tpu.enqueue_dma source(%dma_start3A_40 : memref<64xi32, #tpu.memory_space<hbm>>) target(%dma_start3A_37 : memref<64xi32, #tpu.memory_space<vmem>>) target_semaphore(%arg17 : memref<!tpu.dma_semaphore, #tpu.memory_space<semaphore_mem>>)
    %dma_start3A_41 = arith.constant 0 : i32
    %dma_start3A_42 = arith.constant 0 : i32
    %dma_start3A_43 = arith.constant 0 : i32
    %dma_start3A_44 = tpu.memref_slice %arg7[%dma_start3A_42, %dma_start3A_43] : memref<4x64xi32, #tpu.memory_space<vmem>> -> memref<1x64xi32, #tpu.memory_space<vmem>>
    %dma_start3A_45 = tpu.memref_squeeze %dma_start3A_44 : memref<1x64xi32, #tpu.memory_space<vmem>> -> memref<64xi32, #tpu.memory_space<vmem>>
    %dma_start3A_46 = arith.constant 0 : i32
    %dma_start3A_47 = tpu.memref_slice %arg3[%arg1, %dma_start3A_41, %dma_start3A_46] : memref<16x160x64xi32, #tpu.memory_space<hbm>> -> memref<1x1x64xi32, #tpu.memory_space<hbm>>
    %dma_start3A_48 = tpu.memref_squeeze %dma_start3A_47 : memref<1x1x64xi32, #tpu.memory_space<hbm>> -> memref<64xi32, #tpu.memory_space<hbm>>
    %dma_start3A_49 = arith.constant 0 : i32
    %dma_start3A_50 = tpu.memref_slice %arg7[%dma_start3A_42, %dma_start3A_49] : memref<4x64xi32, #tpu.memory_space<vmem>> -> memref<1x64xi32, #tpu.memory_space<vmem>>
    %dma_start3A_51 = tpu.memref_squeeze %dma_start3A_50 : memref<1x64xi32, #tpu.memory_space<vmem>> -> memref<64xi32, #tpu.memory_space<vmem>>
    %dma_start3A_52 = arith.constant 0 : i32
    %dma_start3A_53 = tpu.memref_slice %arg3[%arg1, %dma_start3A_41, %dma_start3A_52] : memref<16x160x64xi32, #tpu.memory_space<hbm>> -> memref<1x1x64xi32, #tpu.memory_space<hbm>>
    %dma_start3A_54 = tpu.memref_squeeze %dma_start3A_53 : memref<1x1x64xi32, #tpu.memory_space<hbm>> -> memref<64xi32, #tpu.memory_space<hbm>>
    tpu.enqueue_dma source(%dma_start3A_54 : memref<64xi32, #tpu.memory_space<hbm>>) target(%dma_start3A_51 : memref<64xi32, #tpu.memory_space<vmem>>) target_semaphore(%arg19 : memref<!tpu.dma_semaphore, #tpu.memory_space<semaphore_mem>>)
    %dma_start3A_55 = arith.constant 1 : i32
    %dma_start3A_56 = arith.constant 1 : i32
    %dma_start3A_57 = arith.constant 0 : i32
    %dma_start3A_58 = tpu.memref_slice %arg7[%dma_start3A_56, %dma_start3A_57] : memref<4x64xi32, #tpu.memory_space<vmem>> -> memref<1x64xi32, #tpu.memory_space<vmem>>
    %dma_start3A_59 = tpu.memref_squeeze %dma_start3A_58 : memref<1x64xi32, #tpu.memory_space<vmem>> -> memref<64xi32, #tpu.memory_space<vmem>>
    %dma_start3A_60 = arith.constant 0 : i32
    %dma_start3A_61 = tpu.memref_slice %arg3[%arg1, %dma_start3A_55, %dma_start3A_60] : memref<16x160x64xi32, #tpu.memory_space<hbm>> -> memref<1x1x64xi32, #tpu.memory_space<hbm>>
    %dma_start3A_62 = tpu.memref_squeeze %dma_start3A_61 : memref<1x1x64xi32, #tpu.memory_space<hbm>> -> memref<64xi32, #tpu.memory_space<hbm>>
    %dma_start3A_63 = arith.constant 0 : i32
    %dma_start3A_64 = tpu.memref_slice %arg7[%dma_start3A_56, %dma_start3A_63] : memref<4x64xi32, #tpu.memory_space<vmem>> -> memref<1x64xi32, #tpu.memory_space<vmem>>
    %dma_start3A_65 = tpu.memref_squeeze %dma_start3A_64 : memref<1x64xi32, #tpu.memory_space<vmem>> -> memref<64xi32, #tpu.memory_space<vmem>>
    %dma_start3A_66 = arith.constant 0 : i32
    %dma_start3A_67 = tpu.memref_slice %arg3[%arg1, %dma_start3A_55, %dma_start3A_66] : memref<16x160x64xi32, #tpu.memory_space<hbm>> -> memref<1x1x64xi32, #tpu.memory_space<hbm>>
    %dma_start3A_68 = tpu.memref_squeeze %dma_start3A_67 : memref<1x1x64xi32, #tpu.memory_space<hbm>> -> memref<64xi32, #tpu.memory_space<hbm>>
    tpu.enqueue_dma source(%dma_start3A_68 : memref<64xi32, #tpu.memory_space<hbm>>) target(%dma_start3A_65 : memref<64xi32, #tpu.memory_space<vmem>>) target_semaphore(%arg20 : memref<!tpu.dma_semaphore, #tpu.memory_space<semaphore_mem>>)
    %dma_wait3A = arith.constant 0 : i32
    %dma_wait3A_69 = arith.constant 0 : i32
    %dma_wait3A_70 = arith.constant 0 : i32
    %dma_wait3A_71 = tpu.memref_slice %arg6[%dma_wait3A_69, %dma_wait3A_70] : memref<4x64xi32, #tpu.memory_space<vmem>> -> memref<1x64xi32, #tpu.memory_space<vmem>>
    %dma_wait3A_72 = tpu.memref_squeeze %dma_wait3A_71 : memref<1x64xi32, #tpu.memory_space<vmem>> -> memref<64xi32, #tpu.memory_space<vmem>>
    %dma_wait3A_73 = arith.constant 0 : i32
    %dma_wait3A_74 = tpu.memref_slice %arg2[%arg0, %arg1, %dma_wait3A, %dma_wait3A_73] : memref<2x16x160x64xi32, #tpu.memory_space<hbm>> -> memref<1x1x1x64xi32, #tpu.memory_space<hbm>>
    %dma_wait3A_75 = tpu.memref_squeeze %dma_wait3A_74 : memref<1x1x1x64xi32, #tpu.memory_space<hbm>> -> memref<64xi32, #tpu.memory_space<hbm>>
    %dma_wait3A_76 = arith.constant 0 : i32
    %dma_wait3A_77 = tpu.memref_slice %arg6[%dma_wait3A_69, %dma_wait3A_76] : memref<4x64xi32, #tpu.memory_space<vmem>> -> memref<1x64xi32, #tpu.memory_space<vmem>>
    %dma_wait3A_78 = tpu.memref_squeeze %dma_wait3A_77 : memref<1x64xi32, #tpu.memory_space<vmem>> -> memref<64xi32, #tpu.memory_space<vmem>>
    %dma_wait3A_79 = arith.constant 0 : i32
    %dma_wait3A_80 = tpu.memref_slice %arg2[%arg0, %arg1, %dma_wait3A, %dma_wait3A_79] : memref<2x16x160x64xi32, #tpu.memory_space<hbm>> -> memref<1x1x1x64xi32, #tpu.memory_space<hbm>>
    %dma_wait3A_81 = tpu.memref_squeeze %dma_wait3A_80 : memref<1x1x1x64xi32, #tpu.memory_space<hbm>> -> memref<64xi32, #tpu.memory_space<hbm>>
    tpu.wait_dma2 semaphore(%arg15 : memref<!tpu.dma_semaphore, #tpu.memory_space<semaphore_mem>>) src(%dma_wait3A_81 : memref<64xi32, #tpu.memory_space<hbm>>) dst(%dma_wait3A_78 : memref<64xi32, #tpu.memory_space<vmem>>)
    %dma_start3A_82 = arith.constant 0 : i32
    %dma_start3A_83 = arith.constant 0 : i32
    %dma_start3A_84 = arith.constant 0 : i32
    %dma_start3A_85 = arith.constant 0 : i32
    %dma_start3A_86 = tpu.memref_slice %arg8[%dma_start3A_83, %dma_start3A_84, %dma_start3A_85] : memref<4x64x128xf32, #tpu.memory_space<vmem>> -> memref<1x64x128xf32, #tpu.memory_space<vmem>>
    %dma_start3A_87 = tpu.memref_squeeze %dma_start3A_86 : memref<1x64x128xf32, #tpu.memory_space<vmem>> -> memref<64x128xf32, #tpu.memory_space<vmem>>
    %dma_start3A_88 = arith.constant 0 : i32
    %dma_start3A_89 = tpu.memref_slice %arg6[%dma_start3A_82, %dma_start3A_88] : memref<4x64xi32, #tpu.memory_space<vmem>> -> memref<1x64xi32, #tpu.memory_space<vmem>>
    %dma_start3A_90 = tpu.memref_squeeze %dma_start3A_89 : memref<1x64xi32, #tpu.memory_space<vmem>> -> memref<64xi32, #tpu.memory_space<vmem>>
    %dma_start3A_91 = arith.constant 0 : i32
    %dma_start3A_92 = arith.constant 0 : i32
    %dma_start3A_93 = tpu.memref_slice %arg4[%dma_start3A_91, %dma_start3A_92] : memref<20000x128xf32, #tpu.memory_space<hbm>> -> memref<20000x128xf32, #tpu.memory_space<hbm>>
    tpu.enqueue_indirect_dma source(%dma_start3A_93 : memref<20000x128xf32, #tpu.memory_space<hbm>>) target(%dma_start3A_87 : memref<64x128xf32, #tpu.memory_space<vmem>>) offsets(%dma_start3A_90 : memref<64xi32, #tpu.memory_space<vmem>>) semaphore(%arg11 : memref<!tpu.dma_semaphore, #tpu.memory_space<semaphore_mem>>)
    %dma_wait3A_94 = arith.constant 0 : i32
    %dma_wait3A_95 = arith.constant 1 : i32
    %dma_wait3A_96 = arith.constant 0 : i32
    %dma_wait3A_97 = tpu.memref_slice %arg6[%dma_wait3A_95, %dma_wait3A_96] : memref<4x64xi32, #tpu.memory_space<vmem>> -> memref<1x64xi32, #tpu.memory_space<vmem>>
    %dma_wait3A_98 = tpu.memref_squeeze %dma_wait3A_97 : memref<1x64xi32, #tpu.memory_space<vmem>> -> memref<64xi32, #tpu.memory_space<vmem>>
    %dma_wait3A_99 = arith.constant 0 : i32
    %dma_wait3A_100 = tpu.memref_slice %arg2[%arg0, %arg1, %dma_wait3A_94, %dma_wait3A_99] : memref<2x16x160x64xi32, #tpu.memory_space<hbm>> -> memref<1x1x1x64xi32, #tpu.memory_space<hbm>>
    %dma_wait3A_101 = tpu.memref_squeeze %dma_wait3A_100 : memref<1x1x1x64xi32, #tpu.memory_space<hbm>> -> memref<64xi32, #tpu.memory_space<hbm>>
    %dma_wait3A_102 = arith.constant 0 : i32
    %dma_wait3A_103 = tpu.memref_slice %arg6[%dma_wait3A_95, %dma_wait3A_102] : memref<4x64xi32, #tpu.memory_space<vmem>> -> memref<1x64xi32, #tpu.memory_space<vmem>>
    %dma_wait3A_104 = tpu.memref_squeeze %dma_wait3A_103 : memref<1x64xi32, #tpu.memory_space<vmem>> -> memref<64xi32, #tpu.memory_space<vmem>>
    %dma_wait3A_105 = arith.constant 0 : i32
    %dma_wait3A_106 = tpu.memref_slice %arg2[%arg0, %arg1, %dma_wait3A_94, %dma_wait3A_105] : memref<2x16x160x64xi32, #tpu.memory_space<hbm>> -> memref<1x1x1x64xi32, #tpu.memory_space<hbm>>
    %dma_wait3A_107 = tpu.memref_squeeze %dma_wait3A_106 : memref<1x1x1x64xi32, #tpu.memory_space<hbm>> -> memref<64xi32, #tpu.memory_space<hbm>>
    tpu.wait_dma2 semaphore(%arg16 : memref<!tpu.dma_semaphore, #tpu.memory_space<semaphore_mem>>) src(%dma_wait3A_107 : memref<64xi32, #tpu.memory_space<hbm>>) dst(%dma_wait3A_104 : memref<64xi32, #tpu.memory_space<vmem>>)
    %dma_start3A_108 = arith.constant 1 : i32
    %dma_start3A_109 = arith.constant 1 : i32
    %dma_start3A_110 = arith.constant 0 : i32
    %dma_start3A_111 = arith.constant 0 : i32
    %dma_start3A_112 = tpu.memref_slice %arg8[%dma_start3A_109, %dma_start3A_110, %dma_start3A_111] : memref<4x64x128xf32, #tpu.memory_space<vmem>> -> memref<1x64x128xf32, #tpu.memory_space<vmem>>
    %dma_start3A_113 = tpu.memref_squeeze %dma_start3A_112 : memref<1x64x128xf32, #tpu.memory_space<vmem>> -> memref<64x128xf32, #tpu.memory_space<vmem>>
    %dma_start3A_114 = arith.constant 0 : i32
    %dma_start3A_115 = tpu.memref_slice %arg6[%dma_start3A_108, %dma_start3A_114] : memref<4x64xi32, #tpu.memory_space<vmem>> -> memref<1x64xi32, #tpu.memory_space<vmem>>
    %dma_start3A_116 = tpu.memref_squeeze %dma_start3A_115 : memref<1x64xi32, #tpu.memory_space<vmem>> -> memref<64xi32, #tpu.memory_space<vmem>>
    %dma_start3A_117 = arith.constant 0 : i32
    %dma_start3A_118 = arith.constant 0 : i32
    %dma_start3A_119 = tpu.memref_slice %arg4[%dma_start3A_117, %dma_start3A_118] : memref<20000x128xf32, #tpu.memory_space<hbm>> -> memref<20000x128xf32, #tpu.memory_space<hbm>>
    tpu.enqueue_indirect_dma source(%dma_start3A_119 : memref<20000x128xf32, #tpu.memory_space<hbm>>) target(%dma_start3A_113 : memref<64x128xf32, #tpu.memory_space<vmem>>) offsets(%dma_start3A_116 : memref<64xi32, #tpu.memory_space<vmem>>) semaphore(%arg12 : memref<!tpu.dma_semaphore, #tpu.memory_space<semaphore_mem>>)
    %broadcast_in_dim3A = arith.constant 0.000000e+00 : f32
    %broadcast_in_dim3A_120 = vector.broadcast %broadcast_in_dim3A : f32 to vector<16xf32>
    %scan3A = arith.constant 0 : i32
    %scan3A_121 = arith.constant 0 : i32
    %scan3A_122 = arith.constant 25 : i32
    %scan3A_123 = arith.addi %scan3A_121, %scan3A_122 : i32
    %scan3A_124 = arith.constant 1 : i32
    %scan3A_125 = scf.for %scan3A_196 = %scan3A_121 to %scan3A_123 step %scan3A_124 iter_args(%scan3A_197 = %scan3A) -> (i32)  : i32 {
      %swap3A = arith.index_cast %scan3A_196 : i32 to index
      %swap3A_198 = arith.constant 0 : index
      %swap3A_199 = tpu.vector_load %arg9[%swap3A, %swap3A_198] {strides = array<i32>} : memref<25x128xf32, #tpu.memory_space<vmem>>, vector<1x16xf32>,
      %swap3A_200 = vector.shape_cast %swap3A_199 : vector<1x16xf32> to vector<16xf32>
      %swap3A_201 = vector.shape_cast %broadcast_in_dim3A_120 : vector<16xf32> to vector<1x16xf32>
      tpu.vector_store %arg9[%swap3A, %swap3A_198], %swap3A_201 {strides = array<i32>} : memref<25x128xf32, #tpu.memory_space<vmem>>, vector<1x16xf32>,
      %swap3A_202 = arith.index_cast %scan3A_196 : i32 to index
      %swap3A_203 = arith.constant 16 : index
      %swap3A_204 = tpu.vector_load %arg9[%swap3A_202, %swap3A_203] {strides = array<i32>} : memref<25x128xf32, #tpu.memory_space<vmem>>, vector<1x16xf32>,
      %swap3A_205 = vector.shape_cast %swap3A_204 : vector<1x16xf32> to vector<16xf32>
      %swap3A_206 = vector.shape_cast %broadcast_in_dim3A_120 : vector<16xf32> to vector<1x16xf32>
      tpu.vector_store %arg9[%swap3A_202, %swap3A_203], %swap3A_206 {strides = array<i32>} : memref<25x128xf32, #tpu.memory_space<vmem>>, vector<1x16xf32>,
      %swap3A_207 = arith.index_cast %scan3A_196 : i32 to index
      %swap3A_208 = arith.constant 32 : index
      %swap3A_209 = tpu.vector_load %arg9[%swap3A_207, %swap3A_208] {strides = array<i32>} : memref<25x128xf32, #tpu.memory_space<vmem>>, vector<1x16xf32>,
      %swap3A_210 = vector.shape_cast %swap3A_209 : vector<1x16xf32> to vector<16xf32>
      %swap3A_211 = vector.shape_cast %broadcast_in_dim3A_120 : vector<16xf32> to vector<1x16xf32>
      tpu.vector_store %arg9[%swap3A_207, %swap3A_208], %swap3A_211 {strides = array<i32>} : memref<25x128xf32, #tpu.memory_space<vmem>>, vector<1x16xf32>,
      %swap3A_212 = arith.index_cast %scan3A_196 : i32 to index
      %swap3A_213 = arith.constant 48 : index
      %swap3A_214 = tpu.vector_load %arg9[%swap3A_212, %swap3A_213] {strides = array<i32>} : memref<25x128xf32, #tpu.memory_space<vmem>>, vector<1x16xf32>,
      %swap3A_215 = vector.shape_cast %swap3A_214 : vector<1x16xf32> to vector<16xf32>
      %swap3A_216 = vector.shape_cast %broadcast_in_dim3A_120 : vector<16xf32> to vector<1x16xf32>
      tpu.vector_store %arg9[%swap3A_212, %swap3A_213], %swap3A_216 {strides = array<i32>} : memref<25x128xf32, #tpu.memory_space<vmem>>, vector<1x16xf32>,
      %swap3A_217 = arith.index_cast %scan3A_196 : i32 to index
      %swap3A_218 = arith.constant 64 : index
      %swap3A_219 = tpu.vector_load %arg9[%swap3A_217, %swap3A_218] {strides = array<i32>} : memref<25x128xf32, #tpu.memory_space<vmem>>, vector<1x16xf32>,
      %swap3A_220 = vector.shape_cast %swap3A_219 : vector<1x16xf32> to vector<16xf32>
      %swap3A_221 = vector.shape_cast %broadcast_in_dim3A_120 : vector<16xf32> to vector<1x16xf32>
      tpu.vector_store %arg9[%swap3A_217, %swap3A_218], %swap3A_221 {strides = array<i32>} : memref<25x128xf32, #tpu.memory_space<vmem>>, vector<1x16xf32>,
      %swap3A_222 = arith.index_cast %scan3A_196 : i32 to index
      %swap3A_223 = arith.constant 80 : index
      %swap3A_224 = tpu.vector_load %arg9[%swap3A_222, %swap3A_223] {strides = array<i32>} : memref<25x128xf32, #tpu.memory_space<vmem>>, vector<1x16xf32>,
      %swap3A_225 = vector.shape_cast %swap3A_224 : vector<1x16xf32> to vector<16xf32>
      %swap3A_226 = vector.shape_cast %broadcast_in_dim3A_120 : vector<16xf32> to vector<1x16xf32>
      tpu.vector_store %arg9[%swap3A_222, %swap3A_223], %swap3A_226 {strides = array<i32>} : memref<25x128xf32, #tpu.memory_space<vmem>>, vector<1x16xf32>,
      %swap3A_227 = arith.index_cast %scan3A_196 : i32 to index
      %swap3A_228 = arith.constant 96 : index
      %swap3A_229 = tpu.vector_load %arg9[%swap3A_227, %swap3A_228] {strides = array<i32>} : memref<25x128xf32, #tpu.memory_space<vmem>>, vector<1x16xf32>,
      %swap3A_230 = vector.shape_cast %swap3A_229 : vector<1x16xf32> to vector<16xf32>
      %swap3A_231 = vector.shape_cast %broadcast_in_dim3A_120 : vector<16xf32> to vector<1x16xf32>
      tpu.vector_store %arg9[%swap3A_227, %swap3A_228], %swap3A_231 {strides = array<i32>} : memref<25x128xf32, #tpu.memory_space<vmem>>, vector<1x16xf32>,
      %swap3A_232 = arith.index_cast %scan3A_196 : i32 to index
      %swap3A_233 = arith.constant 112 : index
      %swap3A_234 = tpu.vector_load %arg9[%swap3A_232, %swap3A_233] {strides = array<i32>} : memref<25x128xf32, #tpu.memory_space<vmem>>, vector<1x16xf32>,
      %swap3A_235 = vector.shape_cast %swap3A_234 : vector<1x16xf32> to vector<16xf32>
      %swap3A_236 = vector.shape_cast %broadcast_in_dim3A_120 : vector<16xf32> to vector<1x16xf32>
      tpu.vector_store %arg9[%swap3A_232, %swap3A_233], %swap3A_236 {strides = array<i32>} : memref<25x128xf32, #tpu.memory_space<vmem>>, vector<1x16xf32>,
      %scan3A_237 = arith.constant 0 : i32
      scf.yield %scan3A_237 : i32
    }
    %scan3A_126 = arith.constant 25 : i32
    %scan3A_127 = arith.constant 0 : i32
    %scan3A_128 = arith.constant 0 : i32
    %scan3A_129 = arith.constant 25 : i32
    %scan3A_130 = arith.addi %scan3A_128, %scan3A_129 : i32
    %scan3A_131 = arith.constant 1 : i32
    %scan3A_132 = scf.for %scan3A_196 = %scan3A_128 to %scan3A_130 step %scan3A_131 iter_args(%scan3A_197 = %scan3A_127) -> (i32)  : i32 {
      %mul3A_198 = arith.constant 625 : i32
      %mul3A_199 = arith.muli %arg1, %mul3A_198 : i32
      %mul3A_200 = arith.constant 25 : i32
      %mul3A_201 = arith.muli %scan3A_196, %mul3A_200 : i32
      %add3A = arith.addi %mul3A_199, %mul3A_201 : i32
      "tpu.region"() ({
        %run_scoped3A = tpu.sem_alloc : memref<!tpu.dma_semaphore, #tpu.memory_space<semaphore_mem>>
        %dma_start3A_203 = arith.constant 0 : i32
        %dma_start3A_204 = tpu.memref_slice %arg10[%add3A, %dma_start3A_203] : memref<10008x128xf32, #tpu.memory_space<vmem_shared>> -> memref<25x128xf32, #tpu.memory_space<vmem_shared>>
        %dma_start3A_205 = arith.constant 0 : i32
        %dma_start3A_206 = tpu.memref_slice %arg10[%add3A, %dma_start3A_205] : memref<10008x128xf32, #tpu.memory_space<vmem_shared>> -> memref<25x128xf32, #tpu.memory_space<vmem_shared>>
        tpu.enqueue_dma source(%arg9 : memref<25x128xf32, #tpu.memory_space<vmem>>) target(%dma_start3A_206 : memref<25x128xf32, #tpu.memory_space<vmem_shared>>) target_semaphore(%run_scoped3A : memref<!tpu.dma_semaphore, #tpu.memory_space<semaphore_mem>>)
        %dma_wait3A_207 = arith.constant 0 : i32
        %dma_wait3A_208 = tpu.memref_slice %arg10[%add3A, %dma_wait3A_207] : memref<10008x128xf32, #tpu.memory_space<vmem_shared>> -> memref<25x128xf32, #tpu.memory_space<vmem_shared>>
        %dma_wait3A_209 = arith.constant 0 : i32
        %dma_wait3A_210 = tpu.memref_slice %arg10[%add3A, %dma_wait3A_209] : memref<10008x128xf32, #tpu.memory_space<vmem_shared>> -> memref<25x128xf32, #tpu.memory_space<vmem_shared>>
        tpu.wait_dma2 semaphore(%run_scoped3A : memref<!tpu.dma_semaphore, #tpu.memory_space<semaphore_mem>>) src(%arg9 : memref<25x128xf32, #tpu.memory_space<vmem>>) dst(%dma_wait3A_210 : memref<25x128xf32, #tpu.memory_space<vmem_shared>>)
        tpu.yield
      }) : () -> ()
      %scan3A_202 = arith.constant 0 : i32
      scf.yield %scan3A_202 : i32
    }
    %scan3A_133 = arith.constant 25 : i32
    %barrier3A = arith.constant 0 : index
    tpu.barrier barrier_id(%barrier3A)
    %scan3A_134 = arith.constant 0 : i32
    %scan3A_135 = arith.constant 0 : i32
    %scan3A_136 = arith.constant 40 : i32
    %scan3A_137 = arith.addi %scan3A_135, %scan3A_136 : i32
    %scan3A_138 = arith.constant 1 : i32
    %scan3A_139 = scf.for %scan3A_196 = %scan3A_135 to %scan3A_137 step %scan3A_138 iter_args(%scan3A_197 = %scan3A_134) -> (i32)  : i32 {
      %mul3A_198 = arith.constant 4 : i32
      %mul3A_199 = arith.muli %scan3A_196, %mul3A_198 : i32
      %add3A = arith.constant 0 : i32
      %add3A_200 = arith.addi %mul3A_199, %add3A : i32
      %dma_wait3A_201 = arith.constant 0 : i32
      %dma_wait3A_202 = arith.constant 0 : i32
      %dma_wait3A_203 = arith.constant 0 : i32
      %dma_wait3A_204 = arith.constant 0 : i32
      %dma_wait3A_205 = tpu.memref_slice %arg8[%dma_wait3A_202, %dma_wait3A_203, %dma_wait3A_204] : memref<4x64x128xf32, #tpu.memory_space<vmem>> -> memref<1x64x128xf32, #tpu.memory_space<vmem>>
      %dma_wait3A_206 = tpu.memref_squeeze %dma_wait3A_205 : memref<1x64x128xf32, #tpu.memory_space<vmem>> -> memref<64x128xf32, #tpu.memory_space<vmem>>
      %dma_wait3A_207 = arith.constant 0 : i32
      %dma_wait3A_208 = tpu.memref_slice %arg6[%dma_wait3A_201, %dma_wait3A_207] : memref<4x64xi32, #tpu.memory_space<vmem>> -> memref<1x64xi32, #tpu.memory_space<vmem>>
      %dma_wait3A_209 = tpu.memref_squeeze %dma_wait3A_208 : memref<1x64xi32, #tpu.memory_space<vmem>> -> memref<64xi32, #tpu.memory_space<vmem>>
      %dma_wait3A_210 = arith.constant 0 : i32
      %dma_wait3A_211 = arith.constant 0 : i32
      %dma_wait3A_212 = tpu.memref_slice %arg4[%dma_wait3A_210, %dma_wait3A_211] : memref<20000x128xf32, #tpu.memory_space<hbm>> -> memref<20000x128xf32, #tpu.memory_space<hbm>>
      tpu.wait_indirect_dma semaphore(%arg11 : memref<!tpu.dma_semaphore, #tpu.memory_space<semaphore_mem>>) src(%dma_wait3A_212 : memref<20000x128xf32, #tpu.memory_space<hbm>>) dst(%dma_wait3A_206 : memref<64x128xf32, #tpu.memory_space<vmem>>)
      %add3A_213 = arith.constant 2 : i32
      %add3A_214 = arith.addi %add3A_200, %add3A_213 : i32
      %lt3A = arith.constant 160 : i32
      %lt3A_215 = arith.cmpi slt, %add3A_214, %lt3A : i32
      %convert_element_type3A_216 = arith.extui %lt3A_215 : i1 to i32
      %cond3A_217 = arith.constant 0 : i32
      %cond3A_218 = arith.cmpi ne, %convert_element_type3A_216, %cond3A_217 : i32
      scf.if %cond3A_218 {
        %dma_wait3A_421 = arith.constant 0 : i32
        %dma_wait3A_422 = arith.constant 2 : i32
        %dma_wait3A_423 = arith.constant 0 : i32
        %dma_wait3A_424 = tpu.memref_slice %arg6[%dma_wait3A_422, %dma_wait3A_423] : memref<4x64xi32, #tpu.memory_space<vmem>> -> memref<1x64xi32, #tpu.memory_space<vmem>>
        %dma_wait3A_425 = tpu.memref_squeeze %dma_wait3A_424 : memref<1x64xi32, #tpu.memory_space<vmem>> -> memref<64xi32, #tpu.memory_space<vmem>>
        %dma_wait3A_426 = arith.constant 0 : i32
        %dma_wait3A_427 = tpu.memref_slice %arg2[%arg0, %arg1, %dma_wait3A_421, %dma_wait3A_426] : memref<2x16x160x64xi32, #tpu.memory_space<hbm>> -> memref<1x1x1x64xi32, #tpu.memory_space<hbm>>
        %dma_wait3A_428 = tpu.memref_squeeze %dma_wait3A_427 : memref<1x1x1x64xi32, #tpu.memory_space<hbm>> -> memref<64xi32, #tpu.memory_space<hbm>>
        %dma_wait3A_429 = arith.constant 0 : i32
        %dma_wait3A_430 = tpu.memref_slice %arg6[%dma_wait3A_422, %dma_wait3A_429] : memref<4x64xi32, #tpu.memory_space<vmem>> -> memref<1x64xi32, #tpu.memory_space<vmem>>
        %dma_wait3A_431 = tpu.memref_squeeze %dma_wait3A_430 : memref<1x64xi32, #tpu.memory_space<vmem>> -> memref<64xi32, #tpu.memory_space<vmem>>
        %dma_wait3A_432 = arith.constant 0 : i32
        %dma_wait3A_433 = tpu.memref_slice %arg2[%arg0, %arg1, %dma_wait3A_421, %dma_wait3A_432] : memref<2x16x160x64xi32, #tpu.memory_space<hbm>> -> memref<1x1x1x64xi32, #tpu.memory_space<hbm>>
        %dma_wait3A_434 = tpu.memref_squeeze %dma_wait3A_433 : memref<1x1x1x64xi32, #tpu.memory_space<hbm>> -> memref<64xi32, #tpu.memory_space<hbm>>
        tpu.wait_dma2 semaphore(%arg17 : memref<!tpu.dma_semaphore, #tpu.memory_space<semaphore_mem>>) src(%dma_wait3A_434 : memref<64xi32, #tpu.memory_space<hbm>>) dst(%dma_wait3A_431 : memref<64xi32, #tpu.memory_space<vmem>>)
        %ge3A = arith.constant 2 : i32
        %ge3A_435 = arith.cmpi sge, %add3A_200, %ge3A : i32
        %convert_element_type3A_436 = arith.extui %ge3A_435 : i1 to i32
        %cond3A_437 = arith.constant 0 : i32
        %cond3A_438 = arith.cmpi ne, %convert_element_type3A_436, %cond3A_437 : i32
        scf.if %cond3A_438 {
          %dma_wait3A_468 = arith.constant 2 : i32
          %dma_wait3A_469 = arith.constant 2 : i32
          %dma_wait3A_470 = arith.constant 0 : i32
          %dma_wait3A_471 = arith.constant 0 : i32
          %dma_wait3A_472 = tpu.memref_slice %arg8[%dma_wait3A_468, %dma_wait3A_470, %dma_wait3A_471] : memref<4x64x128xf32, #tpu.memory_space<vmem>> -> memref<1x64x128xf32, #tpu.memory_space<vmem>>
          %dma_wait3A_473 = tpu.memref_squeeze %dma_wait3A_472 : memref<1x64x128xf32, #tpu.memory_space<vmem>> -> memref<64x128xf32, #tpu.memory_space<vmem>>
          %dma_wait3A_474 = arith.constant 0 : i32
          %dma_wait3A_475 = tpu.memref_slice %arg7[%dma_wait3A_469, %dma_wait3A_474] : memref<4x64xi32, #tpu.memory_space<vmem>> -> memref<1x64xi32, #tpu.memory_space<vmem>>
          %dma_wait3A_476 = tpu.memref_squeeze %dma_wait3A_475 : memref<1x64xi32, #tpu.memory_space<vmem>> -> memref<64xi32, #tpu.memory_space<vmem>>
          %dma_wait3A_477 = arith.constant 0 : i32
          %dma_wait3A_478 = arith.constant 0 : i32
          %dma_wait3A_479 = tpu.memref_slice %arg10[%dma_wait3A_477, %dma_wait3A_478] : memref<10008x128xf32, #tpu.memory_space<vmem_shared>> -> memref<10008x128xf32, #tpu.memory_space<vmem_shared>>
          tpu.wait_indirect_dma semaphore(%arg25 : memref<!tpu.dma_semaphore, #tpu.memory_space<semaphore_mem>>) src(%dma_wait3A_473 : memref<64x128xf32, #tpu.memory_space<vmem>>) dst(%dma_wait3A_479 : memref<10008x128xf32, #tpu.memory_space<vmem_shared>>)
        } else {
        }
        %add3A_439 = arith.constant 2 : i32
        %add3A_440 = arith.addi %add3A_200, %add3A_439 : i32
        %dma_start3A_441 = arith.constant 2 : i32
        %dma_start3A_442 = arith.constant 2 : i32
        %dma_start3A_443 = arith.constant 0 : i32
        %dma_start3A_444 = arith.constant 0 : i32
        %dma_start3A_445 = tpu.memref_slice %arg8[%dma_start3A_442, %dma_start3A_443, %dma_start3A_444] : memref<4x64x128xf32, #tpu.memory_space<vmem>> -> memref<1x64x128xf32, #tpu.memory_space<vmem>>
        %dma_start3A_446 = tpu.memref_squeeze %dma_start3A_445 : memref<1x64x128xf32, #tpu.memory_space<vmem>> -> memref<64x128xf32, #tpu.memory_space<vmem>>
        %dma_start3A_447 = arith.constant 0 : i32
        %dma_start3A_448 = tpu.memref_slice %arg6[%dma_start3A_441, %dma_start3A_447] : memref<4x64xi32, #tpu.memory_space<vmem>> -> memref<1x64xi32, #tpu.memory_space<vmem>>
        %dma_start3A_449 = tpu.memref_squeeze %dma_start3A_448 : memref<1x64xi32, #tpu.memory_space<vmem>> -> memref<64xi32, #tpu.memory_space<vmem>>
        %dma_start3A_450 = arith.constant 0 : i32
        %dma_start3A_451 = arith.constant 0 : i32
        %dma_start3A_452 = tpu.memref_slice %arg4[%dma_start3A_450, %dma_start3A_451] : memref<20000x128xf32, #tpu.memory_space<hbm>> -> memref<20000x128xf32, #tpu.memory_space<hbm>>
        tpu.enqueue_indirect_dma source(%dma_start3A_452 : memref<20000x128xf32, #tpu.memory_space<hbm>>) target(%dma_start3A_446 : memref<64x128xf32, #tpu.memory_space<vmem>>) offsets(%dma_start3A_449 : memref<64xi32, #tpu.memory_space<vmem>>) semaphore(%arg13 : memref<!tpu.dma_semaphore, #tpu.memory_space<semaphore_mem>>)
        %add3A_453 = arith.constant 2 : i32
        %add3A_454 = arith.addi %add3A_200, %add3A_453 : i32
        %dma_start3A_455 = arith.constant 2 : i32
        %dma_start3A_456 = arith.constant 0 : i32
        %dma_start3A_457 = tpu.memref_slice %arg7[%dma_start3A_455, %dma_start3A_456] : memref<4x64xi32, #tpu.memory_space<vmem>> -> memref<1x64xi32, #tpu.memory_space<vmem>>
        %dma_start3A_458 = tpu.memref_squeeze %dma_start3A_457 : memref<1x64xi32, #tpu.memory_space<vmem>> -> memref<64xi32, #tpu.memory_space<vmem>>
        %dma_start3A_459 = arith.constant 0 : i32
        %dma_start3A_460 = tpu.memref_slice %arg3[%arg1, %add3A_454, %dma_start3A_459] : memref<16x160x64xi32, #tpu.memory_space<hbm>> -> memref<1x1x64xi32, #tpu.memory_space<hbm>>
        %dma_start3A_461 = tpu.memref_squeeze %dma_start3A_460 : memref<1x1x64xi32, #tpu.memory_space<hbm>> -> memref<64xi32, #tpu.memory_space<hbm>>
        %dma_start3A_462 = arith.constant 0 : i32
        %dma_start3A_463 = tpu.memref_slice %arg7[%dma_start3A_455, %dma_start3A_462] : memref<4x64xi32, #tpu.memory_space<vmem>> -> memref<1x64xi32, #tpu.memory_space<vmem>>
        %dma_start3A_464 = tpu.memref_squeeze %dma_start3A_463 : memref<1x64xi32, #tpu.memory_space<vmem>> -> memref<64xi32, #tpu.memory_space<vmem>>
        %dma_start3A_465 = arith.constant 0 : i32
        %dma_start3A_466 = tpu.memref_slice %arg3[%arg1, %add3A_454, %dma_start3A_465] : memref<16x160x64xi32, #tpu.memory_space<hbm>> -> memref<1x1x64xi32, #tpu.memory_space<hbm>>
        %dma_start3A_467 = tpu.memref_squeeze %dma_start3A_466 : memref<1x1x64xi32, #tpu.memory_space<hbm>> -> memref<64xi32, #tpu.memory_space<hbm>>
        tpu.enqueue_dma source(%dma_start3A_467 : memref<64xi32, #tpu.memory_space<hbm>>) target(%dma_start3A_464 : memref<64xi32, #tpu.memory_space<vmem>>) target_semaphore(%arg21 : memref<!tpu.dma_semaphore, #tpu.memory_space<semaphore_mem>>)
      } else {
      }
      %dma_wait3A_219 = arith.constant 0 : i32
      %dma_wait3A_220 = arith.constant 0 : i32
      %dma_wait3A_221 = arith.constant 0 : i32
      %dma_wait3A_222 = tpu.memref_slice %arg7[%dma_wait3A_220, %dma_wait3A_221] : memref<4x64xi32, #tpu.memory_space<vmem>> -> memref<1x64xi32, #tpu.memory_space<vmem>>
      %dma_wait3A_223 = tpu.memref_squeeze %dma_wait3A_222 : memref<1x64xi32, #tpu.memory_space<vmem>> -> memref<64xi32, #tpu.memory_space<vmem>>
      %dma_wait3A_224 = arith.constant 0 : i32
      %dma_wait3A_225 = tpu.memref_slice %arg3[%arg1, %dma_wait3A_219, %dma_wait3A_224] : memref<16x160x64xi32, #tpu.memory_space<hbm>> -> memref<1x1x64xi32, #tpu.memory_space<hbm>>
      %dma_wait3A_226 = tpu.memref_squeeze %dma_wait3A_225 : memref<1x1x64xi32, #tpu.memory_space<hbm>> -> memref<64xi32, #tpu.memory_space<hbm>>
      %dma_wait3A_227 = arith.constant 0 : i32
      %dma_wait3A_228 = tpu.memref_slice %arg7[%dma_wait3A_220, %dma_wait3A_227] : memref<4x64xi32, #tpu.memory_space<vmem>> -> memref<1x64xi32, #tpu.memory_space<vmem>>
      %dma_wait3A_229 = tpu.memref_squeeze %dma_wait3A_228 : memref<1x64xi32, #tpu.memory_space<vmem>> -> memref<64xi32, #tpu.memory_space<vmem>>
      %dma_wait3A_230 = arith.constant 0 : i32
      %dma_wait3A_231 = tpu.memref_slice %arg3[%arg1, %dma_wait3A_219, %dma_wait3A_230] : memref<16x160x64xi32, #tpu.memory_space<hbm>> -> memref<1x1x64xi32, #tpu.memory_space<hbm>>
      %dma_wait3A_232 = tpu.memref_squeeze %dma_wait3A_231 : memref<1x1x64xi32, #tpu.memory_space<hbm>> -> memref<64xi32, #tpu.memory_space<hbm>>
      tpu.wait_dma2 semaphore(%arg19 : memref<!tpu.dma_semaphore, #tpu.memory_space<semaphore_mem>>) src(%dma_wait3A_232 : memref<64xi32, #tpu.memory_space<hbm>>) dst(%dma_wait3A_229 : memref<64xi32, #tpu.memory_space<vmem>>)
      %dma_start3A_233 = arith.constant 0 : i32
      %dma_start3A_234 = arith.constant 0 : i32
      %dma_start3A_235 = arith.constant 0 : i32
      %dma_start3A_236 = arith.constant 0 : i32
      %dma_start3A_237 = tpu.memref_slice %arg8[%dma_start3A_233, %dma_start3A_235, %dma_start3A_236] : memref<4x64x128xf32, #tpu.memory_space<vmem>> -> memref<1x64x128xf32, #tpu.memory_space<vmem>>
      %dma_start3A_238 = tpu.memref_squeeze %dma_start3A_237 : memref<1x64x128xf32, #tpu.memory_space<vmem>> -> memref<64x128xf32, #tpu.memory_space<vmem>>
      %dma_start3A_239 = arith.constant 0 : i32
      %dma_start3A_240 = tpu.memref_slice %arg7[%dma_start3A_234, %dma_start3A_239] : memref<4x64xi32, #tpu.memory_space<vmem>> -> memref<1x64xi32, #tpu.memory_space<vmem>>
      %dma_start3A_241 = tpu.memref_squeeze %dma_start3A_240 : memref<1x64xi32, #tpu.memory_space<vmem>> -> memref<64xi32, #tpu.memory_space<vmem>>
      %dma_start3A_242 = arith.constant 0 : i32
      %dma_start3A_243 = arith.constant 0 : i32
      %dma_start3A_244 = tpu.memref_slice %arg10[%dma_start3A_242, %dma_start3A_243] : memref<10008x128xf32, #tpu.memory_space<vmem_shared>> -> memref<10008x128xf32, #tpu.memory_space<vmem_shared>>
      tpu.enqueue_indirect_dma source(%dma_start3A_238 : memref<64x128xf32, #tpu.memory_space<vmem>>) target(%dma_start3A_244 : memref<10008x128xf32, #tpu.memory_space<vmem_shared>>) offsets(%dma_start3A_241 : memref<64xi32, #tpu.memory_space<vmem>>) semaphore(%arg23 : memref<!tpu.dma_semaphore, #tpu.memory_space<semaphore_mem>>) {add = true}
      %add3A_245 = arith.constant 3 : i32
      %add3A_246 = arith.addi %add3A_200, %add3A_245 : i32
      %lt3A_247 = arith.constant 160 : i32
      %lt3A_248 = arith.cmpi slt, %add3A_246, %lt3A_247 : i32
      %convert_element_type3A_249 = arith.extui %lt3A_248 : i1 to i32
      %cond3A_250 = arith.constant 0 : i32
      %cond3A_251 = arith.cmpi ne, %convert_element_type3A_249, %cond3A_250 : i32
      scf.if %cond3A_251 {
        %add3A_421 = arith.constant 3 : i32
        %add3A_422 = arith.addi %add3A_200, %add3A_421 : i32
        %dma_start3A_423 = arith.constant 3 : i32
        %dma_start3A_424 = arith.constant 0 : i32
        %dma_start3A_425 = tpu.memref_slice %arg6[%dma_start3A_423, %dma_start3A_424] : memref<4x64xi32, #tpu.memory_space<vmem>> -> memref<1x64xi32, #tpu.memory_space<vmem>>
        %dma_start3A_426 = tpu.memref_squeeze %dma_start3A_425 : memref<1x64xi32, #tpu.memory_space<vmem>> -> memref<64xi32, #tpu.memory_space<vmem>>
        %dma_start3A_427 = arith.constant 0 : i32
        %dma_start3A_428 = tpu.memref_slice %arg2[%arg0, %arg1, %add3A_422, %dma_start3A_427] : memref<2x16x160x64xi32, #tpu.memory_space<hbm>> -> memref<1x1x1x64xi32, #tpu.memory_space<hbm>>
        %dma_start3A_429 = tpu.memref_squeeze %dma_start3A_428 : memref<1x1x1x64xi32, #tpu.memory_space<hbm>> -> memref<64xi32, #tpu.memory_space<hbm>>
        %dma_start3A_430 = arith.constant 0 : i32
        %dma_start3A_431 = tpu.memref_slice %arg6[%dma_start3A_423, %dma_start3A_430] : memref<4x64xi32, #tpu.memory_space<vmem>> -> memref<1x64xi32, #tpu.memory_space<vmem>>
        %dma_start3A_432 = tpu.memref_squeeze %dma_start3A_431 : memref<1x64xi32, #tpu.memory_space<vmem>> -> memref<64xi32, #tpu.memory_space<vmem>>
        %dma_start3A_433 = arith.constant 0 : i32
        %dma_start3A_434 = tpu.memref_slice %arg2[%arg0, %arg1, %add3A_422, %dma_start3A_433] : memref<2x16x160x64xi32, #tpu.memory_space<hbm>> -> memref<1x1x1x64xi32, #tpu.memory_space<hbm>>
        %dma_start3A_435 = tpu.memref_squeeze %dma_start3A_434 : memref<1x1x1x64xi32, #tpu.memory_space<hbm>> -> memref<64xi32, #tpu.memory_space<hbm>>
        tpu.enqueue_dma source(%dma_start3A_435 : memref<64xi32, #tpu.memory_space<hbm>>) target(%dma_start3A_432 : memref<64xi32, #tpu.memory_space<vmem>>) target_semaphore(%arg18 : memref<!tpu.dma_semaphore, #tpu.memory_space<semaphore_mem>>)
      } else {
      }
      %mul3A_252 = arith.constant 4 : i32
      %mul3A_253 = arith.muli %scan3A_196, %mul3A_252 : i32
      %add3A_254 = arith.constant 1 : i32
      %add3A_255 = arith.addi %mul3A_253, %add3A_254 : i32
      %dma_wait3A_256 = arith.constant 0 : i32
      %dma_wait3A_257 = arith.constant 1 : i32
      %dma_wait3A_258 = arith.constant 0 : i32
      %dma_wait3A_259 = arith.constant 0 : i32
      %dma_wait3A_260 = tpu.memref_slice %arg8[%dma_wait3A_257, %dma_wait3A_258, %dma_wait3A_259] : memref<4x64x128xf32, #tpu.memory_space<vmem>> -> memref<1x64x128xf32, #tpu.memory_space<vmem>>
      %dma_wait3A_261 = tpu.memref_squeeze %dma_wait3A_260 : memref<1x64x128xf32, #tpu.memory_space<vmem>> -> memref<64x128xf32, #tpu.memory_space<vmem>>
      %dma_wait3A_262 = arith.constant 0 : i32
      %dma_wait3A_263 = tpu.memref_slice %arg6[%dma_wait3A_256, %dma_wait3A_262] : memref<4x64xi32, #tpu.memory_space<vmem>> -> memref<1x64xi32, #tpu.memory_space<vmem>>
      %dma_wait3A_264 = tpu.memref_squeeze %dma_wait3A_263 : memref<1x64xi32, #tpu.memory_space<vmem>> -> memref<64xi32, #tpu.memory_space<vmem>>
      %dma_wait3A_265 = arith.constant 0 : i32
      %dma_wait3A_266 = arith.constant 0 : i32
      %dma_wait3A_267 = tpu.memref_slice %arg4[%dma_wait3A_265, %dma_wait3A_266] : memref<20000x128xf32, #tpu.memory_space<hbm>> -> memref<20000x128xf32, #tpu.memory_space<hbm>>
      tpu.wait_indirect_dma semaphore(%arg12 : memref<!tpu.dma_semaphore, #tpu.memory_space<semaphore_mem>>) src(%dma_wait3A_267 : memref<20000x128xf32, #tpu.memory_space<hbm>>) dst(%dma_wait3A_261 : memref<64x128xf32, #tpu.memory_space<vmem>>)
      %add3A_268 = arith.constant 2 : i32
      %add3A_269 = arith.addi %add3A_255, %add3A_268 : i32
      %lt3A_270 = arith.constant 160 : i32
      %lt3A_271 = arith.cmpi slt, %add3A_269, %lt3A_270 : i32
      %convert_element_type3A_272 = arith.extui %lt3A_271 : i1 to i32
      %cond3A_273 = arith.constant 0 : i32
      %cond3A_274 = arith.cmpi ne, %convert_element_type3A_272, %cond3A_273 : i32
      scf.if %cond3A_274 {
        %dma_wait3A_421 = arith.constant 0 : i32
        %dma_wait3A_422 = arith.constant 3 : i32
        %dma_wait3A_423 = arith.constant 0 : i32
        %dma_wait3A_424 = tpu.memref_slice %arg6[%dma_wait3A_422, %dma_wait3A_423] : memref<4x64xi32, #tpu.memory_space<vmem>> -> memref<1x64xi32, #tpu.memory_space<vmem>>
        %dma_wait3A_425 = tpu.memref_squeeze %dma_wait3A_424 : memref<1x64xi32, #tpu.memory_space<vmem>> -> memref<64xi32, #tpu.memory_space<vmem>>
        %dma_wait3A_426 = arith.constant 0 : i32
        %dma_wait3A_427 = tpu.memref_slice %arg2[%arg0, %arg1, %dma_wait3A_421, %dma_wait3A_426] : memref<2x16x160x64xi32, #tpu.memory_space<hbm>> -> memref<1x1x1x64xi32, #tpu.memory_space<hbm>>
        %dma_wait3A_428 = tpu.memref_squeeze %dma_wait3A_427 : memref<1x1x1x64xi32, #tpu.memory_space<hbm>> -> memref<64xi32, #tpu.memory_space<hbm>>
        %dma_wait3A_429 = arith.constant 0 : i32
        %dma_wait3A_430 = tpu.memref_slice %arg6[%dma_wait3A_422, %dma_wait3A_429] : memref<4x64xi32, #tpu.memory_space<vmem>> -> memref<1x64xi32, #tpu.memory_space<vmem>>
        %dma_wait3A_431 = tpu.memref_squeeze %dma_wait3A_430 : memref<1x64xi32, #tpu.memory_space<vmem>> -> memref<64xi32, #tpu.memory_space<vmem>>
        %dma_wait3A_432 = arith.constant 0 : i32
        %dma_wait3A_433 = tpu.memref_slice %arg2[%arg0, %arg1, %dma_wait3A_421, %dma_wait3A_432] : memref<2x16x160x64xi32, #tpu.memory_space<hbm>> -> memref<1x1x1x64xi32, #tpu.memory_space<hbm>>
        %dma_wait3A_434 = tpu.memref_squeeze %dma_wait3A_433 : memref<1x1x1x64xi32, #tpu.memory_space<hbm>> -> memref<64xi32, #tpu.memory_space<hbm>>
        tpu.wait_dma2 semaphore(%arg18 : memref<!tpu.dma_semaphore, #tpu.memory_space<semaphore_mem>>) src(%dma_wait3A_434 : memref<64xi32, #tpu.memory_space<hbm>>) dst(%dma_wait3A_431 : memref<64xi32, #tpu.memory_space<vmem>>)
        %ge3A = arith.constant 2 : i32
        %ge3A_435 = arith.cmpi sge, %add3A_255, %ge3A : i32
        %convert_element_type3A_436 = arith.extui %ge3A_435 : i1 to i32
        %cond3A_437 = arith.constant 0 : i32
        %cond3A_438 = arith.cmpi ne, %convert_element_type3A_436, %cond3A_437 : i32
        scf.if %cond3A_438 {
          %dma_wait3A_468 = arith.constant 3 : i32
          %dma_wait3A_469 = arith.constant 3 : i32
          %dma_wait3A_470 = arith.constant 0 : i32
          %dma_wait3A_471 = arith.constant 0 : i32
          %dma_wait3A_472 = tpu.memref_slice %arg8[%dma_wait3A_468, %dma_wait3A_470, %dma_wait3A_471] : memref<4x64x128xf32, #tpu.memory_space<vmem>> -> memref<1x64x128xf32, #tpu.memory_space<vmem>>
          %dma_wait3A_473 = tpu.memref_squeeze %dma_wait3A_472 : memref<1x64x128xf32, #tpu.memory_space<vmem>> -> memref<64x128xf32, #tpu.memory_space<vmem>>
          %dma_wait3A_474 = arith.constant 0 : i32
          %dma_wait3A_475 = tpu.memref_slice %arg7[%dma_wait3A_469, %dma_wait3A_474] : memref<4x64xi32, #tpu.memory_space<vmem>> -> memref<1x64xi32, #tpu.memory_space<vmem>>
          %dma_wait3A_476 = tpu.memref_squeeze %dma_wait3A_475 : memref<1x64xi32, #tpu.memory_space<vmem>> -> memref<64xi32, #tpu.memory_space<vmem>>
          %dma_wait3A_477 = arith.constant 0 : i32
          %dma_wait3A_478 = arith.constant 0 : i32
          %dma_wait3A_479 = tpu.memref_slice %arg10[%dma_wait3A_477, %dma_wait3A_478] : memref<10008x128xf32, #tpu.memory_space<vmem_shared>> -> memref<10008x128xf32, #tpu.memory_space<vmem_shared>>
          tpu.wait_indirect_dma semaphore(%arg26 : memref<!tpu.dma_semaphore, #tpu.memory_space<semaphore_mem>>) src(%dma_wait3A_473 : memref<64x128xf32, #tpu.memory_space<vmem>>) dst(%dma_wait3A_479 : memref<10008x128xf32, #tpu.memory_space<vmem_shared>>)
        } else {
        }
        %add3A_439 = arith.constant 2 : i32
        %add3A_440 = arith.addi %add3A_255, %add3A_439 : i32
        %dma_start3A_441 = arith.constant 3 : i32
        %dma_start3A_442 = arith.constant 3 : i32
        %dma_start3A_443 = arith.constant 0 : i32
        %dma_start3A_444 = arith.constant 0 : i32
        %dma_start3A_445 = tpu.memref_slice %arg8[%dma_start3A_442, %dma_start3A_443, %dma_start3A_444] : memref<4x64x128xf32, #tpu.memory_space<vmem>> -> memref<1x64x128xf32, #tpu.memory_space<vmem>>
        %dma_start3A_446 = tpu.memref_squeeze %dma_start3A_445 : memref<1x64x128xf32, #tpu.memory_space<vmem>> -> memref<64x128xf32, #tpu.memory_space<vmem>>
        %dma_start3A_447 = arith.constant 0 : i32
        %dma_start3A_448 = tpu.memref_slice %arg6[%dma_start3A_441, %dma_start3A_447] : memref<4x64xi32, #tpu.memory_space<vmem>> -> memref<1x64xi32, #tpu.memory_space<vmem>>
        %dma_start3A_449 = tpu.memref_squeeze %dma_start3A_448 : memref<1x64xi32, #tpu.memory_space<vmem>> -> memref<64xi32, #tpu.memory_space<vmem>>
        %dma_start3A_450 = arith.constant 0 : i32
        %dma_start3A_451 = arith.constant 0 : i32
        %dma_start3A_452 = tpu.memref_slice %arg4[%dma_start3A_450, %dma_start3A_451] : memref<20000x128xf32, #tpu.memory_space<hbm>> -> memref<20000x128xf32, #tpu.memory_space<hbm>>
        tpu.enqueue_indirect_dma source(%dma_start3A_452 : memref<20000x128xf32, #tpu.memory_space<hbm>>) target(%dma_start3A_446 : memref<64x128xf32, #tpu.memory_space<vmem>>) offsets(%dma_start3A_449 : memref<64xi32, #tpu.memory_space<vmem>>) semaphore(%arg14 : memref<!tpu.dma_semaphore, #tpu.memory_space<semaphore_mem>>)
        %add3A_453 = arith.constant 2 : i32
        %add3A_454 = arith.addi %add3A_255, %add3A_453 : i32
        %dma_start3A_455 = arith.constant 3 : i32
        %dma_start3A_456 = arith.constant 0 : i32
        %dma_start3A_457 = tpu.memref_slice %arg7[%dma_start3A_455, %dma_start3A_456] : memref<4x64xi32, #tpu.memory_space<vmem>> -> memref<1x64xi32, #tpu.memory_space<vmem>>
        %dma_start3A_458 = tpu.memref_squeeze %dma_start3A_457 : memref<1x64xi32, #tpu.memory_space<vmem>> -> memref<64xi32, #tpu.memory_space<vmem>>
        %dma_start3A_459 = arith.constant 0 : i32
        %dma_start3A_460 = tpu.memref_slice %arg3[%arg1, %add3A_454, %dma_start3A_459] : memref<16x160x64xi32, #tpu.memory_space<hbm>> -> memref<1x1x64xi32, #tpu.memory_space<hbm>>
        %dma_start3A_461 = tpu.memref_squeeze %dma_start3A_460 : memref<1x1x64xi32, #tpu.memory_space<hbm>> -> memref<64xi32, #tpu.memory_space<hbm>>
        %dma_start3A_462 = arith.constant 0 : i32
        %dma_start3A_463 = tpu.memref_slice %arg7[%dma_start3A_455, %dma_start3A_462] : memref<4x64xi32, #tpu.memory_space<vmem>> -> memref<1x64xi32, #tpu.memory_space<vmem>>
        %dma_start3A_464 = tpu.memref_squeeze %dma_start3A_463 : memref<1x64xi32, #tpu.memory_space<vmem>> -> memref<64xi32, #tpu.memory_space<vmem>>
        %dma_start3A_465 = arith.constant 0 : i32
        %dma_start3A_466 = tpu.memref_slice %arg3[%arg1, %add3A_454, %dma_start3A_465] : memref<16x160x64xi32, #tpu.memory_space<hbm>> -> memref<1x1x64xi32, #tpu.memory_space<hbm>>
        %dma_start3A_467 = tpu.memref_squeeze %dma_start3A_466 : memref<1x1x64xi32, #tpu.memory_space<hbm>> -> memref<64xi32, #tpu.memory_space<hbm>>
        tpu.enqueue_dma source(%dma_start3A_467 : memref<64xi32, #tpu.memory_space<hbm>>) target(%dma_start3A_464 : memref<64xi32, #tpu.memory_space<vmem>>) target_semaphore(%arg22 : memref<!tpu.dma_semaphore, #tpu.memory_space<semaphore_mem>>)
      } else {
      }
      %dma_wait3A_275 = arith.constant 0 : i32
      %dma_wait3A_276 = arith.constant 1 : i32
      %dma_wait3A_277 = arith.constant 0 : i32
      %dma_wait3A_278 = tpu.memref_slice %arg7[%dma_wait3A_276, %dma_wait3A_277] : memref<4x64xi32, #tpu.memory_space<vmem>> -> memref<1x64xi32, #tpu.memory_space<vmem>>
      %dma_wait3A_279 = tpu.memref_squeeze %dma_wait3A_278 : memref<1x64xi32, #tpu.memory_space<vmem>> -> memref<64xi32, #tpu.memory_space<vmem>>
      %dma_wait3A_280 = arith.constant 0 : i32
      %dma_wait3A_281 = tpu.memref_slice %arg3[%arg1, %dma_wait3A_275, %dma_wait3A_280] : memref<16x160x64xi32, #tpu.memory_space<hbm>> -> memref<1x1x64xi32, #tpu.memory_space<hbm>>
      %dma_wait3A_282 = tpu.memref_squeeze %dma_wait3A_281 : memref<1x1x64xi32, #tpu.memory_space<hbm>> -> memref<64xi32, #tpu.memory_space<hbm>>
      %dma_wait3A_283 = arith.constant 0 : i32
      %dma_wait3A_284 = tpu.memref_slice %arg7[%dma_wait3A_276, %dma_wait3A_283] : memref<4x64xi32, #tpu.memory_space<vmem>> -> memref<1x64xi32, #tpu.memory_space<vmem>>
      %dma_wait3A_285 = tpu.memref_squeeze %dma_wait3A_284 : memref<1x64xi32, #tpu.memory_space<vmem>> -> memref<64xi32, #tpu.memory_space<vmem>>
      %dma_wait3A_286 = arith.constant 0 : i32
      %dma_wait3A_287 = tpu.memref_slice %arg3[%arg1, %dma_wait3A_275, %dma_wait3A_286] : memref<16x160x64xi32, #tpu.memory_space<hbm>> -> memref<1x1x64xi32, #tpu.memory_space<hbm>>
      %dma_wait3A_288 = tpu.memref_squeeze %dma_wait3A_287 : memref<1x1x64xi32, #tpu.memory_space<hbm>> -> memref<64xi32, #tpu.memory_space<hbm>>
      tpu.wait_dma2 semaphore(%arg20 : memref<!tpu.dma_semaphore, #tpu.memory_space<semaphore_mem>>) src(%dma_wait3A_288 : memref<64xi32, #tpu.memory_space<hbm>>) dst(%dma_wait3A_285 : memref<64xi32, #tpu.memory_space<vmem>>)
      %dma_start3A_289 = arith.constant 1 : i32
      %dma_start3A_290 = arith.constant 1 : i32
      %dma_start3A_291 = arith.constant 0 : i32
      %dma_start3A_292 = arith.constant 0 : i32
      %dma_start3A_293 = tpu.memref_slice %arg8[%dma_start3A_289, %dma_start3A_291, %dma_start3A_292] : memref<4x64x128xf32, #tpu.memory_space<vmem>> -> memref<1x64x128xf32, #tpu.memory_space<vmem>>
      %dma_start3A_294 = tpu.memref_squeeze %dma_start3A_293 : memref<1x64x128xf32, #tpu.memory_space<vmem>> -> memref<64x128xf32, #tpu.memory_space<vmem>>
      %dma_start3A_295 = arith.constant 0 : i32
      %dma_start3A_296 = tpu.memref_slice %arg7[%dma_start3A_290, %dma_start3A_295] : memref<4x64xi32, #tpu.memory_space<vmem>> -> memref<1x64xi32, #tpu.memory_space<vmem>>
      %dma_start3A_297 = tpu.memref_squeeze %dma_start3A_296 : memref<1x64xi32, #tpu.memory_space<vmem>> -> memref<64xi32, #tpu.memory_space<vmem>>
      %dma_start3A_298 = arith.constant 0 : i32
      %dma_start3A_299 = arith.constant 0 : i32
      %dma_start3A_300 = tpu.memref_slice %arg10[%dma_start3A_298, %dma_start3A_299] : memref<10008x128xf32, #tpu.memory_space<vmem_shared>> -> memref<10008x128xf32, #tpu.memory_space<vmem_shared>>
      tpu.enqueue_indirect_dma source(%dma_start3A_294 : memref<64x128xf32, #tpu.memory_space<vmem>>) target(%dma_start3A_300 : memref<10008x128xf32, #tpu.memory_space<vmem_shared>>) offsets(%dma_start3A_297 : memref<64xi32, #tpu.memory_space<vmem>>) semaphore(%arg24 : memref<!tpu.dma_semaphore, #tpu.memory_space<semaphore_mem>>) {add = true}
      %add3A_301 = arith.constant 3 : i32
      %add3A_302 = arith.addi %add3A_255, %add3A_301 : i32
      %lt3A_303 = arith.constant 160 : i32
      %lt3A_304 = arith.cmpi slt, %add3A_302, %lt3A_303 : i32
      %convert_element_type3A_305 = arith.extui %lt3A_304 : i1 to i32
      %cond3A_306 = arith.constant 0 : i32
      %cond3A_307 = arith.cmpi ne, %convert_element_type3A_305, %cond3A_306 : i32
      scf.if %cond3A_307 {
        %add3A_421 = arith.constant 3 : i32
        %add3A_422 = arith.addi %add3A_255, %add3A_421 : i32
        %dma_start3A_423 = arith.constant 0 : i32
        %dma_start3A_424 = arith.constant 0 : i32
        %dma_start3A_425 = tpu.memref_slice %arg6[%dma_start3A_423, %dma_start3A_424] : memref<4x64xi32, #tpu.memory_space<vmem>> -> memref<1x64xi32, #tpu.memory_space<vmem>>
        %dma_start3A_426 = tpu.memref_squeeze %dma_start3A_425 : memref<1x64xi32, #tpu.memory_space<vmem>> -> memref<64xi32, #tpu.memory_space<vmem>>
        %dma_start3A_427 = arith.constant 0 : i32
        %dma_start3A_428 = tpu.memref_slice %arg2[%arg0, %arg1, %add3A_422, %dma_start3A_427] : memref<2x16x160x64xi32, #tpu.memory_space<hbm>> -> memref<1x1x1x64xi32, #tpu.memory_space<hbm>>
        %dma_start3A_429 = tpu.memref_squeeze %dma_start3A_428 : memref<1x1x1x64xi32, #tpu.memory_space<hbm>> -> memref<64xi32, #tpu.memory_space<hbm>>
        %dma_start3A_430 = arith.constant 0 : i32
        %dma_start3A_431 = tpu.memref_slice %arg6[%dma_start3A_423, %dma_start3A_430] : memref<4x64xi32, #tpu.memory_space<vmem>> -> memref<1x64xi32, #tpu.memory_space<vmem>>
        %dma_start3A_432 = tpu.memref_squeeze %dma_start3A_431 : memref<1x64xi32, #tpu.memory_space<vmem>> -> memref<64xi32, #tpu.memory_space<vmem>>
        %dma_start3A_433 = arith.constant 0 : i32
        %dma_start3A_434 = tpu.memref_slice %arg2[%arg0, %arg1, %add3A_422, %dma_start3A_433] : memref<2x16x160x64xi32, #tpu.memory_space<hbm>> -> memref<1x1x1x64xi32, #tpu.memory_space<hbm>>
        %dma_start3A_435 = tpu.memref_squeeze %dma_start3A_434 : memref<1x1x1x64xi32, #tpu.memory_space<hbm>> -> memref<64xi32, #tpu.memory_space<hbm>>
        tpu.enqueue_dma source(%dma_start3A_435 : memref<64xi32, #tpu.memory_space<hbm>>) target(%dma_start3A_432 : memref<64xi32, #tpu.memory_space<vmem>>) target_semaphore(%arg15 : memref<!tpu.dma_semaphore, #tpu.memory_space<semaphore_mem>>)
      } else {
      }
      %mul3A_308 = arith.constant 4 : i32
      %mul3A_309 = arith.muli %scan3A_196, %mul3A_308 : i32
      %add3A_310 = arith.constant 2 : i32
      %add3A_311 = arith.addi %mul3A_309, %add3A_310 : i32
      %dma_wait3A_312 = arith.constant 0 : i32
      %dma_wait3A_313 = arith.constant 2 : i32
      %dma_wait3A_314 = arith.constant 0 : i32
      %dma_wait3A_315 = arith.constant 0 : i32
      %dma_wait3A_316 = tpu.memref_slice %arg8[%dma_wait3A_313, %dma_wait3A_314, %dma_wait3A_315] : memref<4x64x128xf32, #tpu.memory_space<vmem>> -> memref<1x64x128xf32, #tpu.memory_space<vmem>>
      %dma_wait3A_317 = tpu.memref_squeeze %dma_wait3A_316 : memref<1x64x128xf32, #tpu.memory_space<vmem>> -> memref<64x128xf32, #tpu.memory_space<vmem>>
      %dma_wait3A_318 = arith.constant 0 : i32
      %dma_wait3A_319 = tpu.memref_slice %arg6[%dma_wait3A_312, %dma_wait3A_318] : memref<4x64xi32, #tpu.memory_space<vmem>> -> memref<1x64xi32, #tpu.memory_space<vmem>>
      %dma_wait3A_320 = tpu.memref_squeeze %dma_wait3A_319 : memref<1x64xi32, #tpu.memory_space<vmem>> -> memref<64xi32, #tpu.memory_space<vmem>>
      %dma_wait3A_321 = arith.constant 0 : i32
      %dma_wait3A_322 = arith.constant 0 : i32
      %dma_wait3A_323 = tpu.memref_slice %arg4[%dma_wait3A_321, %dma_wait3A_322] : memref<20000x128xf32, #tpu.memory_space<hbm>> -> memref<20000x128xf32, #tpu.memory_space<hbm>>
      tpu.wait_indirect_dma semaphore(%arg13 : memref<!tpu.dma_semaphore, #tpu.memory_space<semaphore_mem>>) src(%dma_wait3A_323 : memref<20000x128xf32, #tpu.memory_space<hbm>>) dst(%dma_wait3A_317 : memref<64x128xf32, #tpu.memory_space<vmem>>)
      %add3A_324 = arith.constant 2 : i32
      %add3A_325 = arith.addi %add3A_311, %add3A_324 : i32
      %lt3A_326 = arith.constant 160 : i32
      %lt3A_327 = arith.cmpi slt, %add3A_325, %lt3A_326 : i32
      %convert_element_type3A_328 = arith.extui %lt3A_327 : i1 to i32
      %cond3A_329 = arith.constant 0 : i32
      %cond3A_330 = arith.cmpi ne, %convert_element_type3A_328, %cond3A_329 : i32
      scf.if %cond3A_330 {
        %dma_wait3A_421 = arith.constant 0 : i32
        %dma_wait3A_422 = arith.constant 0 : i32
        %dma_wait3A_423 = arith.constant 0 : i32
        %dma_wait3A_424 = tpu.memref_slice %arg6[%dma_wait3A_422, %dma_wait3A_423] : memref<4x64xi32, #tpu.memory_space<vmem>> -> memref<1x64xi32, #tpu.memory_space<vmem>>
        %dma_wait3A_425 = tpu.memref_squeeze %dma_wait3A_424 : memref<1x64xi32, #tpu.memory_space<vmem>> -> memref<64xi32, #tpu.memory_space<vmem>>
        %dma_wait3A_426 = arith.constant 0 : i32
        %dma_wait3A_427 = tpu.memref_slice %arg2[%arg0, %arg1, %dma_wait3A_421, %dma_wait3A_426] : memref<2x16x160x64xi32, #tpu.memory_space<hbm>> -> memref<1x1x1x64xi32, #tpu.memory_space<hbm>>
        %dma_wait3A_428 = tpu.memref_squeeze %dma_wait3A_427 : memref<1x1x1x64xi32, #tpu.memory_space<hbm>> -> memref<64xi32, #tpu.memory_space<hbm>>
        %dma_wait3A_429 = arith.constant 0 : i32
        %dma_wait3A_430 = tpu.memref_slice %arg6[%dma_wait3A_422, %dma_wait3A_429] : memref<4x64xi32, #tpu.memory_space<vmem>> -> memref<1x64xi32, #tpu.memory_space<vmem>>
        %dma_wait3A_431 = tpu.memref_squeeze %dma_wait3A_430 : memref<1x64xi32, #tpu.memory_space<vmem>> -> memref<64xi32, #tpu.memory_space<vmem>>
        %dma_wait3A_432 = arith.constant 0 : i32
        %dma_wait3A_433 = tpu.memref_slice %arg2[%arg0, %arg1, %dma_wait3A_421, %dma_wait3A_432] : memref<2x16x160x64xi32, #tpu.memory_space<hbm>> -> memref<1x1x1x64xi32, #tpu.memory_space<hbm>>
        %dma_wait3A_434 = tpu.memref_squeeze %dma_wait3A_433 : memref<1x1x1x64xi32, #tpu.memory_space<hbm>> -> memref<64xi32, #tpu.memory_space<hbm>>
        tpu.wait_dma2 semaphore(%arg15 : memref<!tpu.dma_semaphore, #tpu.memory_space<semaphore_mem>>) src(%dma_wait3A_434 : memref<64xi32, #tpu.memory_space<hbm>>) dst(%dma_wait3A_431 : memref<64xi32, #tpu.memory_space<vmem>>)
        %ge3A = arith.constant 2 : i32
        %ge3A_435 = arith.cmpi sge, %add3A_311, %ge3A : i32
        %convert_element_type3A_436 = arith.extui %ge3A_435 : i1 to i32
        %cond3A_437 = arith.constant 0 : i32
        %cond3A_438 = arith.cmpi ne, %convert_element_type3A_436, %cond3A_437 : i32
        scf.if %cond3A_438 {
          %dma_wait3A_468 = arith.constant 0 : i32
          %dma_wait3A_469 = arith.constant 0 : i32
          %dma_wait3A_470 = arith.constant 0 : i32
          %dma_wait3A_471 = arith.constant 0 : i32
          %dma_wait3A_472 = tpu.memref_slice %arg8[%dma_wait3A_468, %dma_wait3A_470, %dma_wait3A_471] : memref<4x64x128xf32, #tpu.memory_space<vmem>> -> memref<1x64x128xf32, #tpu.memory_space<vmem>>
          %dma_wait3A_473 = tpu.memref_squeeze %dma_wait3A_472 : memref<1x64x128xf32, #tpu.memory_space<vmem>> -> memref<64x128xf32, #tpu.memory_space<vmem>>
          %dma_wait3A_474 = arith.constant 0 : i32
          %dma_wait3A_475 = tpu.memref_slice %arg7[%dma_wait3A_469, %dma_wait3A_474] : memref<4x64xi32, #tpu.memory_space<vmem>> -> memref<1x64xi32, #tpu.memory_space<vmem>>
          %dma_wait3A_476 = tpu.memref_squeeze %dma_wait3A_475 : memref<1x64xi32, #tpu.memory_space<vmem>> -> memref<64xi32, #tpu.memory_space<vmem>>
          %dma_wait3A_477 = arith.constant 0 : i32
          %dma_wait3A_478 = arith.constant 0 : i32
          %dma_wait3A_479 = tpu.memref_slice %arg10[%dma_wait3A_477, %dma_wait3A_478] : memref<10008x128xf32, #tpu.memory_space<vmem_shared>> -> memref<10008x128xf32, #tpu.memory_space<vmem_shared>>
          tpu.wait_indirect_dma semaphore(%arg23 : memref<!tpu.dma_semaphore, #tpu.memory_space<semaphore_mem>>) src(%dma_wait3A_473 : memref<64x128xf32, #tpu.memory_space<vmem>>) dst(%dma_wait3A_479 : memref<10008x128xf32, #tpu.memory_space<vmem_shared>>)
        } else {
        }
        %add3A_439 = arith.constant 2 : i32
        %add3A_440 = arith.addi %add3A_311, %add3A_439 : i32
        %dma_start3A_441 = arith.constant 0 : i32
        %dma_start3A_442 = arith.constant 0 : i32
        %dma_start3A_443 = arith.constant 0 : i32
        %dma_start3A_444 = arith.constant 0 : i32
        %dma_start3A_445 = tpu.memref_slice %arg8[%dma_start3A_442, %dma_start3A_443, %dma_start3A_444] : memref<4x64x128xf32, #tpu.memory_space<vmem>> -> memref<1x64x128xf32, #tpu.memory_space<vmem>>
        %dma_start3A_446 = tpu.memref_squeeze %dma_start3A_445 : memref<1x64x128xf32, #tpu.memory_space<vmem>> -> memref<64x128xf32, #tpu.memory_space<vmem>>
        %dma_start3A_447 = arith.constant 0 : i32
        %dma_start3A_448 = tpu.memref_slice %arg6[%dma_start3A_441, %dma_start3A_447] : memref<4x64xi32, #tpu.memory_space<vmem>> -> memref<1x64xi32, #tpu.memory_space<vmem>>
        %dma_start3A_449 = tpu.memref_squeeze %dma_start3A_448 : memref<1x64xi32, #tpu.memory_space<vmem>> -> memref<64xi32, #tpu.memory_space<vmem>>
        %dma_start3A_450 = arith.constant 0 : i32
        %dma_start3A_451 = arith.constant 0 : i32
        %dma_start3A_452 = tpu.memref_slice %arg4[%dma_start3A_450, %dma_start3A_451] : memref<20000x128xf32, #tpu.memory_space<hbm>> -> memref<20000x128xf32, #tpu.memory_space<hbm>>
        tpu.enqueue_indirect_dma source(%dma_start3A_452 : memref<20000x128xf32, #tpu.memory_space<hbm>>) target(%dma_start3A_446 : memref<64x128xf32, #tpu.memory_space<vmem>>) offsets(%dma_start3A_449 : memref<64xi32, #tpu.memory_space<vmem>>) semaphore(%arg11 : memref<!tpu.dma_semaphore, #tpu.memory_space<semaphore_mem>>)
        %add3A_453 = arith.constant 2 : i32
        %add3A_454 = arith.addi %add3A_311, %add3A_453 : i32
        %dma_start3A_455 = arith.constant 0 : i32
        %dma_start3A_456 = arith.constant 0 : i32
        %dma_start3A_457 = tpu.memref_slice %arg7[%dma_start3A_455, %dma_start3A_456] : memref<4x64xi32, #tpu.memory_space<vmem>> -> memref<1x64xi32, #tpu.memory_space<vmem>>
        %dma_start3A_458 = tpu.memref_squeeze %dma_start3A_457 : memref<1x64xi32, #tpu.memory_space<vmem>> -> memref<64xi32, #tpu.memory_space<vmem>>
        %dma_start3A_459 = arith.constant 0 : i32
        %dma_start3A_460 = tpu.memref_slice %arg3[%arg1, %add3A_454, %dma_start3A_459] : memref<16x160x64xi32, #tpu.memory_space<hbm>> -> memref<1x1x64xi32, #tpu.memory_space<hbm>>
        %dma_start3A_461 = tpu.memref_squeeze %dma_start3A_460 : memref<1x1x64xi32, #tpu.memory_space<hbm>> -> memref<64xi32, #tpu.memory_space<hbm>>
        %dma_start3A_462 = arith.constant 0 : i32
        %dma_start3A_463 = tpu.memref_slice %arg7[%dma_start3A_455, %dma_start3A_462] : memref<4x64xi32, #tpu.memory_space<vmem>> -> memref<1x64xi32, #tpu.memory_space<vmem>>
        %dma_start3A_464 = tpu.memref_squeeze %dma_start3A_463 : memref<1x64xi32, #tpu.memory_space<vmem>> -> memref<64xi32, #tpu.memory_space<vmem>>
        %dma_start3A_465 = arith.constant 0 : i32
        %dma_start3A_466 = tpu.memref_slice %arg3[%arg1, %add3A_454, %dma_start3A_465] : memref<16x160x64xi32, #tpu.memory_space<hbm>> -> memref<1x1x64xi32, #tpu.memory_space<hbm>>
        %dma_start3A_467 = tpu.memref_squeeze %dma_start3A_466 : memref<1x1x64xi32, #tpu.memory_space<hbm>> -> memref<64xi32, #tpu.memory_space<hbm>>
        tpu.enqueue_dma source(%dma_start3A_467 : memref<64xi32, #tpu.memory_space<hbm>>) target(%dma_start3A_464 : memref<64xi32, #tpu.memory_space<vmem>>) target_semaphore(%arg19 : memref<!tpu.dma_semaphore, #tpu.memory_space<semaphore_mem>>)
      } else {
      }
      %dma_wait3A_331 = arith.constant 0 : i32
      %dma_wait3A_332 = arith.constant 2 : i32
      %dma_wait3A_333 = arith.constant 0 : i32
      %dma_wait3A_334 = tpu.memref_slice %arg7[%dma_wait3A_332, %dma_wait3A_333] : memref<4x64xi32, #tpu.memory_space<vmem>> -> memref<1x64xi32, #tpu.memory_space<vmem>>
      %dma_wait3A_335 = tpu.memref_squeeze %dma_wait3A_334 : memref<1x64xi32, #tpu.memory_space<vmem>> -> memref<64xi32, #tpu.memory_space<vmem>>
      %dma_wait3A_336 = arith.constant 0 : i32
      %dma_wait3A_337 = tpu.memref_slice %arg3[%arg1, %dma_wait3A_331, %dma_wait3A_336] : memref<16x160x64xi32, #tpu.memory_space<hbm>> -> memref<1x1x64xi32, #tpu.memory_space<hbm>>
      %dma_wait3A_338 = tpu.memref_squeeze %dma_wait3A_337 : memref<1x1x64xi32, #tpu.memory_space<hbm>> -> memref<64xi32, #tpu.memory_space<hbm>>
      %dma_wait3A_339 = arith.constant 0 : i32
      %dma_wait3A_340 = tpu.memref_slice %arg7[%dma_wait3A_332, %dma_wait3A_339] : memref<4x64xi32, #tpu.memory_space<vmem>> -> memref<1x64xi32, #tpu.memory_space<vmem>>
      %dma_wait3A_341 = tpu.memref_squeeze %dma_wait3A_340 : memref<1x64xi32, #tpu.memory_space<vmem>> -> memref<64xi32, #tpu.memory_space<vmem>>
      %dma_wait3A_342 = arith.constant 0 : i32
      %dma_wait3A_343 = tpu.memref_slice %arg3[%arg1, %dma_wait3A_331, %dma_wait3A_342] : memref<16x160x64xi32, #tpu.memory_space<hbm>> -> memref<1x1x64xi32, #tpu.memory_space<hbm>>
      %dma_wait3A_344 = tpu.memref_squeeze %dma_wait3A_343 : memref<1x1x64xi32, #tpu.memory_space<hbm>> -> memref<64xi32, #tpu.memory_space<hbm>>
      tpu.wait_dma2 semaphore(%arg21 : memref<!tpu.dma_semaphore, #tpu.memory_space<semaphore_mem>>) src(%dma_wait3A_344 : memref<64xi32, #tpu.memory_space<hbm>>) dst(%dma_wait3A_341 : memref<64xi32, #tpu.memory_space<vmem>>)
      %dma_start3A_345 = arith.constant 2 : i32
      %dma_start3A_346 = arith.constant 2 : i32
      %dma_start3A_347 = arith.constant 0 : i32
      %dma_start3A_348 = arith.constant 0 : i32
      %dma_start3A_349 = tpu.memref_slice %arg8[%dma_start3A_345, %dma_start3A_347, %dma_start3A_348] : memref<4x64x128xf32, #tpu.memory_space<vmem>> -> memref<1x64x128xf32, #tpu.memory_space<vmem>>
      %dma_start3A_350 = tpu.memref_squeeze %dma_start3A_349 : memref<1x64x128xf32, #tpu.memory_space<vmem>> -> memref<64x128xf32, #tpu.memory_space<vmem>>
      %dma_start3A_351 = arith.constant 0 : i32
      %dma_start3A_352 = tpu.memref_slice %arg7[%dma_start3A_346, %dma_start3A_351] : memref<4x64xi32, #tpu.memory_space<vmem>> -> memref<1x64xi32, #tpu.memory_space<vmem>>
      %dma_start3A_353 = tpu.memref_squeeze %dma_start3A_352 : memref<1x64xi32, #tpu.memory_space<vmem>> -> memref<64xi32, #tpu.memory_space<vmem>>
      %dma_start3A_354 = arith.constant 0 : i32
      %dma_start3A_355 = arith.constant 0 : i32
      %dma_start3A_356 = tpu.memref_slice %arg10[%dma_start3A_354, %dma_start3A_355] : memref<10008x128xf32, #tpu.memory_space<vmem_shared>> -> memref<10008x128xf32, #tpu.memory_space<vmem_shared>>
      tpu.enqueue_indirect_dma source(%dma_start3A_350 : memref<64x128xf32, #tpu.memory_space<vmem>>) target(%dma_start3A_356 : memref<10008x128xf32, #tpu.memory_space<vmem_shared>>) offsets(%dma_start3A_353 : memref<64xi32, #tpu.memory_space<vmem>>) semaphore(%arg25 : memref<!tpu.dma_semaphore, #tpu.memory_space<semaphore_mem>>) {add = true}
      %add3A_357 = arith.constant 3 : i32
      %add3A_358 = arith.addi %add3A_311, %add3A_357 : i32
      %lt3A_359 = arith.constant 160 : i32
      %lt3A_360 = arith.cmpi slt, %add3A_358, %lt3A_359 : i32
      %convert_element_type3A_361 = arith.extui %lt3A_360 : i1 to i32
      %cond3A_362 = arith.constant 0 : i32
      %cond3A_363 = arith.cmpi ne, %convert_element_type3A_361, %cond3A_362 : i32
      scf.if %cond3A_363 {
        %add3A_421 = arith.constant 3 : i32
        %add3A_422 = arith.addi %add3A_311, %add3A_421 : i32
        %dma_start3A_423 = arith.constant 1 : i32
        %dma_start3A_424 = arith.constant 0 : i32
        %dma_start3A_425 = tpu.memref_slice %arg6[%dma_start3A_423, %dma_start3A_424] : memref<4x64xi32, #tpu.memory_space<vmem>> -> memref<1x64xi32, #tpu.memory_space<vmem>>
        %dma_start3A_426 = tpu.memref_squeeze %dma_start3A_425 : memref<1x64xi32, #tpu.memory_space<vmem>> -> memref<64xi32, #tpu.memory_space<vmem>>
        %dma_start3A_427 = arith.constant 0 : i32
        %dma_start3A_428 = tpu.memref_slice %arg2[%arg0, %arg1, %add3A_422, %dma_start3A_427] : memref<2x16x160x64xi32, #tpu.memory_space<hbm>> -> memref<1x1x1x64xi32, #tpu.memory_space<hbm>>
        %dma_start3A_429 = tpu.memref_squeeze %dma_start3A_428 : memref<1x1x1x64xi32, #tpu.memory_space<hbm>> -> memref<64xi32, #tpu.memory_space<hbm>>
        %dma_start3A_430 = arith.constant 0 : i32
        %dma_start3A_431 = tpu.memref_slice %arg6[%dma_start3A_423, %dma_start3A_430] : memref<4x64xi32, #tpu.memory_space<vmem>> -> memref<1x64xi32, #tpu.memory_space<vmem>>
        %dma_start3A_432 = tpu.memref_squeeze %dma_start3A_431 : memref<1x64xi32, #tpu.memory_space<vmem>> -> memref<64xi32, #tpu.memory_space<vmem>>
        %dma_start3A_433 = arith.constant 0 : i32
        %dma_start3A_434 = tpu.memref_slice %arg2[%arg0, %arg1, %add3A_422, %dma_start3A_433] : memref<2x16x160x64xi32, #tpu.memory_space<hbm>> -> memref<1x1x1x64xi32, #tpu.memory_space<hbm>>
        %dma_start3A_435 = tpu.memref_squeeze %dma_start3A_434 : memref<1x1x1x64xi32, #tpu.memory_space<hbm>> -> memref<64xi32, #tpu.memory_space<hbm>>
        tpu.enqueue_dma source(%dma_start3A_435 : memref<64xi32, #tpu.memory_space<hbm>>) target(%dma_start3A_432 : memref<64xi32, #tpu.memory_space<vmem>>) target_semaphore(%arg16 : memref<!tpu.dma_semaphore, #tpu.memory_space<semaphore_mem>>)
      } else {
      }
      %mul3A_364 = arith.constant 4 : i32
      %mul3A_365 = arith.muli %scan3A_196, %mul3A_364 : i32
      %add3A_366 = arith.constant 3 : i32
      %add3A_367 = arith.addi %mul3A_365, %add3A_366 : i32
      %dma_wait3A_368 = arith.constant 0 : i32
      %dma_wait3A_369 = arith.constant 3 : i32
      %dma_wait3A_370 = arith.constant 0 : i32
      %dma_wait3A_371 = arith.constant 0 : i32
      %dma_wait3A_372 = tpu.memref_slice %arg8[%dma_wait3A_369, %dma_wait3A_370, %dma_wait3A_371] : memref<4x64x128xf32, #tpu.memory_space<vmem>> -> memref<1x64x128xf32, #tpu.memory_space<vmem>>
      %dma_wait3A_373 = tpu.memref_squeeze %dma_wait3A_372 : memref<1x64x128xf32, #tpu.memory_space<vmem>> -> memref<64x128xf32, #tpu.memory_space<vmem>>
      %dma_wait3A_374 = arith.constant 0 : i32
      %dma_wait3A_375 = tpu.memref_slice %arg6[%dma_wait3A_368, %dma_wait3A_374] : memref<4x64xi32, #tpu.memory_space<vmem>> -> memref<1x64xi32, #tpu.memory_space<vmem>>
      %dma_wait3A_376 = tpu.memref_squeeze %dma_wait3A_375 : memref<1x64xi32, #tpu.memory_space<vmem>> -> memref<64xi32, #tpu.memory_space<vmem>>
      %dma_wait3A_377 = arith.constant 0 : i32
      %dma_wait3A_378 = arith.constant 0 : i32
      %dma_wait3A_379 = tpu.memref_slice %arg4[%dma_wait3A_377, %dma_wait3A_378] : memref<20000x128xf32, #tpu.memory_space<hbm>> -> memref<20000x128xf32, #tpu.memory_space<hbm>>
      tpu.wait_indirect_dma semaphore(%arg14 : memref<!tpu.dma_semaphore, #tpu.memory_space<semaphore_mem>>) src(%dma_wait3A_379 : memref<20000x128xf32, #tpu.memory_space<hbm>>) dst(%dma_wait3A_373 : memref<64x128xf32, #tpu.memory_space<vmem>>)
      %add3A_380 = arith.constant 2 : i32
      %add3A_381 = arith.addi %add3A_367, %add3A_380 : i32
      %lt3A_382 = arith.constant 160 : i32
      %lt3A_383 = arith.cmpi slt, %add3A_381, %lt3A_382 : i32
      %convert_element_type3A_384 = arith.extui %lt3A_383 : i1 to i32
      %cond3A_385 = arith.constant 0 : i32
      %cond3A_386 = arith.cmpi ne, %convert_element_type3A_384, %cond3A_385 : i32
      scf.if %cond3A_386 {
        %dma_wait3A_421 = arith.constant 0 : i32
        %dma_wait3A_422 = arith.constant 1 : i32
        %dma_wait3A_423 = arith.constant 0 : i32
        %dma_wait3A_424 = tpu.memref_slice %arg6[%dma_wait3A_422, %dma_wait3A_423] : memref<4x64xi32, #tpu.memory_space<vmem>> -> memref<1x64xi32, #tpu.memory_space<vmem>>
        %dma_wait3A_425 = tpu.memref_squeeze %dma_wait3A_424 : memref<1x64xi32, #tpu.memory_space<vmem>> -> memref<64xi32, #tpu.memory_space<vmem>>
        %dma_wait3A_426 = arith.constant 0 : i32
        %dma_wait3A_427 = tpu.memref_slice %arg2[%arg0, %arg1, %dma_wait3A_421, %dma_wait3A_426] : memref<2x16x160x64xi32, #tpu.memory_space<hbm>> -> memref<1x1x1x64xi32, #tpu.memory_space<hbm>>
        %dma_wait3A_428 = tpu.memref_squeeze %dma_wait3A_427 : memref<1x1x1x64xi32, #tpu.memory_space<hbm>> -> memref<64xi32, #tpu.memory_space<hbm>>
        %dma_wait3A_429 = arith.constant 0 : i32
        %dma_wait3A_430 = tpu.memref_slice %arg6[%dma_wait3A_422, %dma_wait3A_429] : memref<4x64xi32, #tpu.memory_space<vmem>> -> memref<1x64xi32, #tpu.memory_space<vmem>>
        %dma_wait3A_431 = tpu.memref_squeeze %dma_wait3A_430 : memref<1x64xi32, #tpu.memory_space<vmem>> -> memref<64xi32, #tpu.memory_space<vmem>>
        %dma_wait3A_432 = arith.constant 0 : i32
        %dma_wait3A_433 = tpu.memref_slice %arg2[%arg0, %arg1, %dma_wait3A_421, %dma_wait3A_432] : memref<2x16x160x64xi32, #tpu.memory_space<hbm>> -> memref<1x1x1x64xi32, #tpu.memory_space<hbm>>
        %dma_wait3A_434 = tpu.memref_squeeze %dma_wait3A_433 : memref<1x1x1x64xi32, #tpu.memory_space<hbm>> -> memref<64xi32, #tpu.memory_space<hbm>>
        tpu.wait_dma2 semaphore(%arg16 : memref<!tpu.dma_semaphore, #tpu.memory_space<semaphore_mem>>) src(%dma_wait3A_434 : memref<64xi32, #tpu.memory_space<hbm>>) dst(%dma_wait3A_431 : memref<64xi32, #tpu.memory_space<vmem>>)
        %ge3A = arith.constant 2 : i32
        %ge3A_435 = arith.cmpi sge, %add3A_367, %ge3A : i32
        %convert_element_type3A_436 = arith.extui %ge3A_435 : i1 to i32
        %cond3A_437 = arith.constant 0 : i32
        %cond3A_438 = arith.cmpi ne, %convert_element_type3A_436, %cond3A_437 : i32
        scf.if %cond3A_438 {
          %dma_wait3A_468 = arith.constant 1 : i32
          %dma_wait3A_469 = arith.constant 1 : i32
          %dma_wait3A_470 = arith.constant 0 : i32
          %dma_wait3A_471 = arith.constant 0 : i32
          %dma_wait3A_472 = tpu.memref_slice %arg8[%dma_wait3A_468, %dma_wait3A_470, %dma_wait3A_471] : memref<4x64x128xf32, #tpu.memory_space<vmem>> -> memref<1x64x128xf32, #tpu.memory_space<vmem>>
          %dma_wait3A_473 = tpu.memref_squeeze %dma_wait3A_472 : memref<1x64x128xf32, #tpu.memory_space<vmem>> -> memref<64x128xf32, #tpu.memory_space<vmem>>
          %dma_wait3A_474 = arith.constant 0 : i32
          %dma_wait3A_475 = tpu.memref_slice %arg7[%dma_wait3A_469, %dma_wait3A_474] : memref<4x64xi32, #tpu.memory_space<vmem>> -> memref<1x64xi32, #tpu.memory_space<vmem>>
          %dma_wait3A_476 = tpu.memref_squeeze %dma_wait3A_475 : memref<1x64xi32, #tpu.memory_space<vmem>> -> memref<64xi32, #tpu.memory_space<vmem>>
          %dma_wait3A_477 = arith.constant 0 : i32
          %dma_wait3A_478 = arith.constant 0 : i32
          %dma_wait3A_479 = tpu.memref_slice %arg10[%dma_wait3A_477, %dma_wait3A_478] : memref<10008x128xf32, #tpu.memory_space<vmem_shared>> -> memref<10008x128xf32, #tpu.memory_space<vmem_shared>>
          tpu.wait_indirect_dma semaphore(%arg24 : memref<!tpu.dma_semaphore, #tpu.memory_space<semaphore_mem>>) src(%dma_wait3A_473 : memref<64x128xf32, #tpu.memory_space<vmem>>) dst(%dma_wait3A_479 : memref<10008x128xf32, #tpu.memory_space<vmem_shared>>)
        } else {
        }
        %add3A_439 = arith.constant 2 : i32
        %add3A_440 = arith.addi %add3A_367, %add3A_439 : i32
        %dma_start3A_441 = arith.constant 1 : i32
        %dma_start3A_442 = arith.constant 1 : i32
        %dma_start3A_443 = arith.constant 0 : i32
        %dma_start3A_444 = arith.constant 0 : i32
        %dma_start3A_445 = tpu.memref_slice %arg8[%dma_start3A_442, %dma_start3A_443, %dma_start3A_444] : memref<4x64x128xf32, #tpu.memory_space<vmem>> -> memref<1x64x128xf32, #tpu.memory_space<vmem>>
        %dma_start3A_446 = tpu.memref_squeeze %dma_start3A_445 : memref<1x64x128xf32, #tpu.memory_space<vmem>> -> memref<64x128xf32, #tpu.memory_space<vmem>>
        %dma_start3A_447 = arith.constant 0 : i32
        %dma_start3A_448 = tpu.memref_slice %arg6[%dma_start3A_441, %dma_start3A_447] : memref<4x64xi32, #tpu.memory_space<vmem>> -> memref<1x64xi32, #tpu.memory_space<vmem>>
        %dma_start3A_449 = tpu.memref_squeeze %dma_start3A_448 : memref<1x64xi32, #tpu.memory_space<vmem>> -> memref<64xi32, #tpu.memory_space<vmem>>
        %dma_start3A_450 = arith.constant 0 : i32
        %dma_start3A_451 = arith.constant 0 : i32
        %dma_start3A_452 = tpu.memref_slice %arg4[%dma_start3A_450, %dma_start3A_451] : memref<20000x128xf32, #tpu.memory_space<hbm>> -> memref<20000x128xf32, #tpu.memory_space<hbm>>
        tpu.enqueue_indirect_dma source(%dma_start3A_452 : memref<20000x128xf32, #tpu.memory_space<hbm>>) target(%dma_start3A_446 : memref<64x128xf32, #tpu.memory_space<vmem>>) offsets(%dma_start3A_449 : memref<64xi32, #tpu.memory_space<vmem>>) semaphore(%arg12 : memref<!tpu.dma_semaphore, #tpu.memory_space<semaphore_mem>>)
        %add3A_453 = arith.constant 2 : i32
        %add3A_454 = arith.addi %add3A_367, %add3A_453 : i32
        %dma_start3A_455 = arith.constant 1 : i32
        %dma_start3A_456 = arith.constant 0 : i32
        %dma_start3A_457 = tpu.memref_slice %arg7[%dma_start3A_455, %dma_start3A_456] : memref<4x64xi32, #tpu.memory_space<vmem>> -> memref<1x64xi32, #tpu.memory_space<vmem>>
        %dma_start3A_458 = tpu.memref_squeeze %dma_start3A_457 : memref<1x64xi32, #tpu.memory_space<vmem>> -> memref<64xi32, #tpu.memory_space<vmem>>
        %dma_start3A_459 = arith.constant 0 : i32
        %dma_start3A_460 = tpu.memref_slice %arg3[%arg1, %add3A_454, %dma_start3A_459] : memref<16x160x64xi32, #tpu.memory_space<hbm>> -> memref<1x1x64xi32, #tpu.memory_space<hbm>>
        %dma_start3A_461 = tpu.memref_squeeze %dma_start3A_460 : memref<1x1x64xi32, #tpu.memory_space<hbm>> -> memref<64xi32, #tpu.memory_space<hbm>>
        %dma_start3A_462 = arith.constant 0 : i32
        %dma_start3A_463 = tpu.memref_slice %arg7[%dma_start3A_455, %dma_start3A_462] : memref<4x64xi32, #tpu.memory_space<vmem>> -> memref<1x64xi32, #tpu.memory_space<vmem>>
        %dma_start3A_464 = tpu.memref_squeeze %dma_start3A_463 : memref<1x64xi32, #tpu.memory_space<vmem>> -> memref<64xi32, #tpu.memory_space<vmem>>
        %dma_start3A_465 = arith.constant 0 : i32
        %dma_start3A_466 = tpu.memref_slice %arg3[%arg1, %add3A_454, %dma_start3A_465] : memref<16x160x64xi32, #tpu.memory_space<hbm>> -> memref<1x1x64xi32, #tpu.memory_space<hbm>>
        %dma_start3A_467 = tpu.memref_squeeze %dma_start3A_466 : memref<1x1x64xi32, #tpu.memory_space<hbm>> -> memref<64xi32, #tpu.memory_space<hbm>>
        tpu.enqueue_dma source(%dma_start3A_467 : memref<64xi32, #tpu.memory_space<hbm>>) target(%dma_start3A_464 : memref<64xi32, #tpu.memory_space<vmem>>) target_semaphore(%arg20 : memref<!tpu.dma_semaphore, #tpu.memory_space<semaphore_mem>>)
      } else {
      }
      %dma_wait3A_387 = arith.constant 0 : i32
      %dma_wait3A_388 = arith.constant 3 : i32
      %dma_wait3A_389 = arith.constant 0 : i32
      %dma_wait3A_390 = tpu.memref_slice %arg7[%dma_wait3A_388, %dma_wait3A_389] : memref<4x64xi32, #tpu.memory_space<vmem>> -> memref<1x64xi32, #tpu.memory_space<vmem>>
      %dma_wait3A_391 = tpu.memref_squeeze %dma_wait3A_390 : memref<1x64xi32, #tpu.memory_space<vmem>> -> memref<64xi32, #tpu.memory_space<vmem>>
      %dma_wait3A_392 = arith.constant 0 : i32
      %dma_wait3A_393 = tpu.memref_slice %arg3[%arg1, %dma_wait3A_387, %dma_wait3A_392] : memref<16x160x64xi32, #tpu.memory_space<hbm>> -> memref<1x1x64xi32, #tpu.memory_space<hbm>>
      %dma_wait3A_394 = tpu.memref_squeeze %dma_wait3A_393 : memref<1x1x64xi32, #tpu.memory_space<hbm>> -> memref<64xi32, #tpu.memory_space<hbm>>
      %dma_wait3A_395 = arith.constant 0 : i32
      %dma_wait3A_396 = tpu.memref_slice %arg7[%dma_wait3A_388, %dma_wait3A_395] : memref<4x64xi32, #tpu.memory_space<vmem>> -> memref<1x64xi32, #tpu.memory_space<vmem>>
      %dma_wait3A_397 = tpu.memref_squeeze %dma_wait3A_396 : memref<1x64xi32, #tpu.memory_space<vmem>> -> memref<64xi32, #tpu.memory_space<vmem>>
      %dma_wait3A_398 = arith.constant 0 : i32
      %dma_wait3A_399 = tpu.memref_slice %arg3[%arg1, %dma_wait3A_387, %dma_wait3A_398] : memref<16x160x64xi32, #tpu.memory_space<hbm>> -> memref<1x1x64xi32, #tpu.memory_space<hbm>>
      %dma_wait3A_400 = tpu.memref_squeeze %dma_wait3A_399 : memref<1x1x64xi32, #tpu.memory_space<hbm>> -> memref<64xi32, #tpu.memory_space<hbm>>
      tpu.wait_dma2 semaphore(%arg22 : memref<!tpu.dma_semaphore, #tpu.memory_space<semaphore_mem>>) src(%dma_wait3A_400 : memref<64xi32, #tpu.memory_space<hbm>>) dst(%dma_wait3A_397 : memref<64xi32, #tpu.memory_space<vmem>>)
      %dma_start3A_401 = arith.constant 3 : i32
      %dma_start3A_402 = arith.constant 3 : i32
      %dma_start3A_403 = arith.constant 0 : i32
      %dma_start3A_404 = arith.constant 0 : i32
      %dma_start3A_405 = tpu.memref_slice %arg8[%dma_start3A_401, %dma_start3A_403, %dma_start3A_404] : memref<4x64x128xf32, #tpu.memory_space<vmem>> -> memref<1x64x128xf32, #tpu.memory_space<vmem>>
      %dma_start3A_406 = tpu.memref_squeeze %dma_start3A_405 : memref<1x64x128xf32, #tpu.memory_space<vmem>> -> memref<64x128xf32, #tpu.memory_space<vmem>>
      %dma_start3A_407 = arith.constant 0 : i32
      %dma_start3A_408 = tpu.memref_slice %arg7[%dma_start3A_402, %dma_start3A_407] : memref<4x64xi32, #tpu.memory_space<vmem>> -> memref<1x64xi32, #tpu.memory_space<vmem>>
      %dma_start3A_409 = tpu.memref_squeeze %dma_start3A_408 : memref<1x64xi32, #tpu.memory_space<vmem>> -> memref<64xi32, #tpu.memory_space<vmem>>
      %dma_start3A_410 = arith.constant 0 : i32
      %dma_start3A_411 = arith.constant 0 : i32
      %dma_start3A_412 = tpu.memref_slice %arg10[%dma_start3A_410, %dma_start3A_411] : memref<10008x128xf32, #tpu.memory_space<vmem_shared>> -> memref<10008x128xf32, #tpu.memory_space<vmem_shared>>
      tpu.enqueue_indirect_dma source(%dma_start3A_406 : memref<64x128xf32, #tpu.memory_space<vmem>>) target(%dma_start3A_412 : memref<10008x128xf32, #tpu.memory_space<vmem_shared>>) offsets(%dma_start3A_409 : memref<64xi32, #tpu.memory_space<vmem>>) semaphore(%arg26 : memref<!tpu.dma_semaphore, #tpu.memory_space<semaphore_mem>>) {add = true}
      %add3A_413 = arith.constant 3 : i32
      %add3A_414 = arith.addi %add3A_367, %add3A_413 : i32
      %lt3A_415 = arith.constant 160 : i32
      %lt3A_416 = arith.cmpi slt, %add3A_414, %lt3A_415 : i32
      %convert_element_type3A_417 = arith.extui %lt3A_416 : i1 to i32
      %cond3A_418 = arith.constant 0 : i32
      %cond3A_419 = arith.cmpi ne, %convert_element_type3A_417, %cond3A_418 : i32
      scf.if %cond3A_419 {
        %add3A_421 = arith.constant 3 : i32
        %add3A_422 = arith.addi %add3A_367, %add3A_421 : i32
        %dma_start3A_423 = arith.constant 2 : i32
        %dma_start3A_424 = arith.constant 0 : i32
        %dma_start3A_425 = tpu.memref_slice %arg6[%dma_start3A_423, %dma_start3A_424] : memref<4x64xi32, #tpu.memory_space<vmem>> -> memref<1x64xi32, #tpu.memory_space<vmem>>
        %dma_start3A_426 = tpu.memref_squeeze %dma_start3A_425 : memref<1x64xi32, #tpu.memory_space<vmem>> -> memref<64xi32, #tpu.memory_space<vmem>>
        %dma_start3A_427 = arith.constant 0 : i32
        %dma_start3A_428 = tpu.memref_slice %arg2[%arg0, %arg1, %add3A_422, %dma_start3A_427] : memref<2x16x160x64xi32, #tpu.memory_space<hbm>> -> memref<1x1x1x64xi32, #tpu.memory_space<hbm>>
        %dma_start3A_429 = tpu.memref_squeeze %dma_start3A_428 : memref<1x1x1x64xi32, #tpu.memory_space<hbm>> -> memref<64xi32, #tpu.memory_space<hbm>>
        %dma_start3A_430 = arith.constant 0 : i32
        %dma_start3A_431 = tpu.memref_slice %arg6[%dma_start3A_423, %dma_start3A_430] : memref<4x64xi32, #tpu.memory_space<vmem>> -> memref<1x64xi32, #tpu.memory_space<vmem>>
        %dma_start3A_432 = tpu.memref_squeeze %dma_start3A_431 : memref<1x64xi32, #tpu.memory_space<vmem>> -> memref<64xi32, #tpu.memory_space<vmem>>
        %dma_start3A_433 = arith.constant 0 : i32
        %dma_start3A_434 = tpu.memref_slice %arg2[%arg0, %arg1, %add3A_422, %dma_start3A_433] : memref<2x16x160x64xi32, #tpu.memory_space<hbm>> -> memref<1x1x1x64xi32, #tpu.memory_space<hbm>>
        %dma_start3A_435 = tpu.memref_squeeze %dma_start3A_434 : memref<1x1x1x64xi32, #tpu.memory_space<hbm>> -> memref<64xi32, #tpu.memory_space<hbm>>
        tpu.enqueue_dma source(%dma_start3A_435 : memref<64xi32, #tpu.memory_space<hbm>>) target(%dma_start3A_432 : memref<64xi32, #tpu.memory_space<vmem>>) target_semaphore(%arg17 : memref<!tpu.dma_semaphore, #tpu.memory_space<semaphore_mem>>)
      } else {
      }
      %scan3A_420 = arith.constant 0 : i32
      scf.yield %scan3A_420 : i32
    }
    %scan3A_140 = arith.constant 40 : i32
    %dma_wait3A_141 = arith.constant 0 : i32
    %dma_wait3A_142 = arith.constant 0 : i32
    %dma_wait3A_143 = arith.constant 0 : i32
    %dma_wait3A_144 = arith.constant 0 : i32
    %dma_wait3A_145 = tpu.memref_slice %arg8[%dma_wait3A_141, %dma_wait3A_143, %dma_wait3A_144] : memref<4x64x128xf32, #tpu.memory_space<vmem>> -> memref<1x64x128xf32, #tpu.memory_space<vmem>>
    %dma_wait3A_146 = tpu.memref_squeeze %dma_wait3A_145 : memref<1x64x128xf32, #tpu.memory_space<vmem>> -> memref<64x128xf32, #tpu.memory_space<vmem>>
    %dma_wait3A_147 = arith.constant 0 : i32
    %dma_wait3A_148 = tpu.memref_slice %arg7[%dma_wait3A_142, %dma_wait3A_147] : memref<4x64xi32, #tpu.memory_space<vmem>> -> memref<1x64xi32, #tpu.memory_space<vmem>>
    %dma_wait3A_149 = tpu.memref_squeeze %dma_wait3A_148 : memref<1x64xi32, #tpu.memory_space<vmem>> -> memref<64xi32, #tpu.memory_space<vmem>>
    %dma_wait3A_150 = arith.constant 0 : i32
    %dma_wait3A_151 = arith.constant 0 : i32
    %dma_wait3A_152 = tpu.memref_slice %arg10[%dma_wait3A_150, %dma_wait3A_151] : memref<10008x128xf32, #tpu.memory_space<vmem_shared>> -> memref<10008x128xf32, #tpu.memory_space<vmem_shared>>
    tpu.wait_indirect_dma semaphore(%arg23 : memref<!tpu.dma_semaphore, #tpu.memory_space<semaphore_mem>>) src(%dma_wait3A_146 : memref<64x128xf32, #tpu.memory_space<vmem>>) dst(%dma_wait3A_152 : memref<10008x128xf32, #tpu.memory_space<vmem_shared>>)
    %dma_wait3A_153 = arith.constant 1 : i32
    %dma_wait3A_154 = arith.constant 1 : i32
    %dma_wait3A_155 = arith.constant 0 : i32
    %dma_wait3A_156 = arith.constant 0 : i32
    %dma_wait3A_157 = tpu.memref_slice %arg8[%dma_wait3A_153, %dma_wait3A_155, %dma_wait3A_156] : memref<4x64x128xf32, #tpu.memory_space<vmem>> -> memref<1x64x128xf32, #tpu.memory_space<vmem>>
    %dma_wait3A_158 = tpu.memref_squeeze %dma_wait3A_157 : memref<1x64x128xf32, #tpu.memory_space<vmem>> -> memref<64x128xf32, #tpu.memory_space<vmem>>
    %dma_wait3A_159 = arith.constant 0 : i32
    %dma_wait3A_160 = tpu.memref_slice %arg7[%dma_wait3A_154, %dma_wait3A_159] : memref<4x64xi32, #tpu.memory_space<vmem>> -> memref<1x64xi32, #tpu.memory_space<vmem>>
    %dma_wait3A_161 = tpu.memref_squeeze %dma_wait3A_160 : memref<1x64xi32, #tpu.memory_space<vmem>> -> memref<64xi32, #tpu.memory_space<vmem>>
    %dma_wait3A_162 = arith.constant 0 : i32
    %dma_wait3A_163 = arith.constant 0 : i32
    %dma_wait3A_164 = tpu.memref_slice %arg10[%dma_wait3A_162, %dma_wait3A_163] : memref<10008x128xf32, #tpu.memory_space<vmem_shared>> -> memref<10008x128xf32, #tpu.memory_space<vmem_shared>>
    tpu.wait_indirect_dma semaphore(%arg24 : memref<!tpu.dma_semaphore, #tpu.memory_space<semaphore_mem>>) src(%dma_wait3A_158 : memref<64x128xf32, #tpu.memory_space<vmem>>) dst(%dma_wait3A_164 : memref<10008x128xf32, #tpu.memory_space<vmem_shared>>)
    %dma_wait3A_165 = arith.constant 2 : i32
    %dma_wait3A_166 = arith.constant 2 : i32
    %dma_wait3A_167 = arith.constant 0 : i32
    %dma_wait3A_168 = arith.constant 0 : i32
    %dma_wait3A_169 = tpu.memref_slice %arg8[%dma_wait3A_165, %dma_wait3A_167, %dma_wait3A_168] : memref<4x64x128xf32, #tpu.memory_space<vmem>> -> memref<1x64x128xf32, #tpu.memory_space<vmem>>
    %dma_wait3A_170 = tpu.memref_squeeze %dma_wait3A_169 : memref<1x64x128xf32, #tpu.memory_space<vmem>> -> memref<64x128xf32, #tpu.memory_space<vmem>>
    %dma_wait3A_171 = arith.constant 0 : i32
    %dma_wait3A_172 = tpu.memref_slice %arg7[%dma_wait3A_166, %dma_wait3A_171] : memref<4x64xi32, #tpu.memory_space<vmem>> -> memref<1x64xi32, #tpu.memory_space<vmem>>
    %dma_wait3A_173 = tpu.memref_squeeze %dma_wait3A_172 : memref<1x64xi32, #tpu.memory_space<vmem>> -> memref<64xi32, #tpu.memory_space<vmem>>
    %dma_wait3A_174 = arith.constant 0 : i32
    %dma_wait3A_175 = arith.constant 0 : i32
    %dma_wait3A_176 = tpu.memref_slice %arg10[%dma_wait3A_174, %dma_wait3A_175] : memref<10008x128xf32, #tpu.memory_space<vmem_shared>> -> memref<10008x128xf32, #tpu.memory_space<vmem_shared>>
    tpu.wait_indirect_dma semaphore(%arg25 : memref<!tpu.dma_semaphore, #tpu.memory_space<semaphore_mem>>) src(%dma_wait3A_170 : memref<64x128xf32, #tpu.memory_space<vmem>>) dst(%dma_wait3A_176 : memref<10008x128xf32, #tpu.memory_space<vmem_shared>>)
    %dma_wait3A_177 = arith.constant 3 : i32
    %dma_wait3A_178 = arith.constant 3 : i32
    %dma_wait3A_179 = arith.constant 0 : i32
    %dma_wait3A_180 = arith.constant 0 : i32
    %dma_wait3A_181 = tpu.memref_slice %arg8[%dma_wait3A_177, %dma_wait3A_179, %dma_wait3A_180] : memref<4x64x128xf32, #tpu.memory_space<vmem>> -> memref<1x64x128xf32, #tpu.memory_space<vmem>>
    %dma_wait3A_182 = tpu.memref_squeeze %dma_wait3A_181 : memref<1x64x128xf32, #tpu.memory_space<vmem>> -> memref<64x128xf32, #tpu.memory_space<vmem>>
    %dma_wait3A_183 = arith.constant 0 : i32
    %dma_wait3A_184 = tpu.memref_slice %arg7[%dma_wait3A_178, %dma_wait3A_183] : memref<4x64xi32, #tpu.memory_space<vmem>> -> memref<1x64xi32, #tpu.memory_space<vmem>>
    %dma_wait3A_185 = tpu.memref_squeeze %dma_wait3A_184 : memref<1x64xi32, #tpu.memory_space<vmem>> -> memref<64xi32, #tpu.memory_space<vmem>>
    %dma_wait3A_186 = arith.constant 0 : i32
    %dma_wait3A_187 = arith.constant 0 : i32
    %dma_wait3A_188 = tpu.memref_slice %arg10[%dma_wait3A_186, %dma_wait3A_187] : memref<10008x128xf32, #tpu.memory_space<vmem_shared>> -> memref<10008x128xf32, #tpu.memory_space<vmem_shared>>
    tpu.wait_indirect_dma semaphore(%arg26 : memref<!tpu.dma_semaphore, #tpu.memory_space<semaphore_mem>>) src(%dma_wait3A_182 : memref<64x128xf32, #tpu.memory_space<vmem>>) dst(%dma_wait3A_188 : memref<10008x128xf32, #tpu.memory_space<vmem_shared>>)
    %barrier3A_189 = arith.constant 0 : index
    tpu.barrier barrier_id(%barrier3A_189)
    %mul3A = arith.constant 624 : i32
    %mul3A_190 = arith.muli %arg1, %mul3A : i32
    %multiple_of3A = tpu.assume_multiple %mul3A_190, 8 : i32
    %mul3A_191 = arith.constant 128 : i32
    %mul3A_192 = arith.muli %arg0, %mul3A_191 : i32
    %multiple_of3A_193 = tpu.assume_multiple %mul3A_192, 128 : i32
    "tpu.region"() ({
      %run_scoped3A = tpu.sem_alloc : memref<!tpu.dma_semaphore, #tpu.memory_space<semaphore_mem>>
      %dma_start3A_196 = tpu.memref_slice %arg5[%multiple_of3A, %multiple_of3A_193] : memref<10000x256xf32, #tpu.memory_space<hbm>> -> memref<624x128xf32, #tpu.memory_space<hbm>>
      %dma_start3A_197 = arith.constant 0 : i32
      %dma_start3A_198 = tpu.memref_slice %arg10[%multiple_of3A, %dma_start3A_197] : memref<10008x128xf32, #tpu.memory_space<vmem_shared>> -> memref<624x128xf32, #tpu.memory_space<vmem_shared>>
      tpu.enqueue_dma source(%dma_start3A_198 : memref<624x128xf32, #tpu.memory_space<vmem_shared>>) target(%dma_start3A_196 : memref<624x128xf32, #tpu.memory_space<hbm>>) target_semaphore(%run_scoped3A : memref<!tpu.dma_semaphore, #tpu.memory_space<semaphore_mem>>)
      %dma_wait3A_199 = tpu.memref_slice %arg5[%multiple_of3A, %multiple_of3A_193] : memref<10000x256xf32, #tpu.memory_space<hbm>> -> memref<624x128xf32, #tpu.memory_space<hbm>>
      %dma_wait3A_200 = arith.constant 0 : i32
      %dma_wait3A_201 = tpu.memref_slice %arg10[%multiple_of3A, %dma_wait3A_200] : memref<10008x128xf32, #tpu.memory_space<vmem_shared>> -> memref<624x128xf32, #tpu.memory_space<vmem_shared>>
      tpu.wait_dma2 semaphore(%run_scoped3A : memref<!tpu.dma_semaphore, #tpu.memory_space<semaphore_mem>>) src(%dma_wait3A_201 : memref<624x128xf32, #tpu.memory_space<vmem_shared>>) dst(%dma_wait3A_199 : memref<624x128xf32, #tpu.memory_space<hbm>>)
      tpu.yield
    }) : () -> ()
    %eq3A = arith.constant 15 : i32
    %eq3A_194 = arith.cmpi eq, %arg1, %eq3A : i32
    %convert_element_type3A = arith.extui %eq3A_194 : i1 to i32
    %cond3A = arith.constant 0 : i32
    %cond3A_195 = arith.cmpi ne, %convert_element_type3A, %cond3A : i32
    scf.if %cond3A_195 {
      %multiple_of3A_196 = arith.constant 9984 : i32
      %multiple_of3A_197 = tpu.assume_multiple %multiple_of3A_196, 8 : i32
      "tpu.region"() ({
        %run_scoped3A = tpu.sem_alloc : memref<!tpu.dma_semaphore, #tpu.memory_space<semaphore_mem>>
        %dma_start3A_198 = tpu.memref_slice %arg5[%multiple_of3A_197, %multiple_of3A_193] : memref<10000x256xf32, #tpu.memory_space<hbm>> -> memref<16x128xf32, #tpu.memory_space<hbm>>
        %dma_start3A_199 = arith.constant 0 : i32
        %dma_start3A_200 = tpu.memref_slice %arg10[%multiple_of3A_197, %dma_start3A_199] : memref<10008x128xf32, #tpu.memory_space<vmem_shared>> -> memref<16x128xf32, #tpu.memory_space<vmem_shared>>
        tpu.enqueue_dma source(%dma_start3A_200 : memref<16x128xf32, #tpu.memory_space<vmem_shared>>) target(%dma_start3A_198 : memref<16x128xf32, #tpu.memory_space<hbm>>) target_semaphore(%run_scoped3A : memref<!tpu.dma_semaphore, #tpu.memory_space<semaphore_mem>>)
        %dma_wait3A_201 = tpu.memref_slice %arg5[%multiple_of3A_197, %multiple_of3A_193] : memref<10000x256xf32, #tpu.memory_space<hbm>> -> memref<16x128xf32, #tpu.memory_space<hbm>>
        %dma_wait3A_202 = arith.constant 0 : i32
        %dma_wait3A_203 = tpu.memref_slice %arg10[%multiple_of3A_197, %dma_wait3A_202] : memref<10008x128xf32, #tpu.memory_space<vmem_shared>> -> memref<16x128xf32, #tpu.memory_space<vmem_shared>>
        tpu.wait_dma2 semaphore(%run_scoped3A : memref<!tpu.dma_semaphore, #tpu.memory_space<semaphore_mem>>) src(%dma_wait3A_203 : memref<16x128xf32, #tpu.memory_space<vmem_shared>>) dst(%dma_wait3A_201 : memref<16x128xf32, #tpu.memory_space<hbm>>)
        tpu.yield
      }) : () -> ()
    } else {
    }
    return
  }
}

</mosaic_0001>

<sc_bundles>
// kernel: kernel.3.cloned.1.call-start
scs
__scs_entry_jumppad:
0x0: {  	(pc) =	sbr.rel $0x88, $3  }
0x1: {  	(tag) =	ssettag $0x0;
	lr =	simm.s32 $0x1  }
0x2: {  	[smem:$0x3F9F] =	sst lr;
	_ =	strace $0xD0000000  }
0x3: {  	_ = 	snop  }
0x4: {  	_ = 	snop  }
0x5: {  	_ = 	snop  }
0x6: {  	_ = 	snop  }
0x7: {  	_ = 	snop  }
__scs_overlays_trampoline_lowered:
0x8: {  	[smem:$0x3FAE] =	sst s0  }
0x9: {  	[smem:$0x3FAF] =	sst s1  }
0xa: {  	[smem:$0x3FB0] =	sst s2  }
0xb: {  	[smem:$0x3FB1] =	sst s3  }
0xc: {  	[smem:$0x3FB2] =	sst s4  }
0xd: {  	[smem:$0x3FB3] =	sst s5  }
0xe: {  	[smem:$0x3FB4] =	sst s6  }
0xf: {  	[smem:$0x3FB5] =	sst s7  }
0x10: {  	[smem:$0x3FB6] =	sst s8  }
0x11: {  	[smem:$0x3FB7] =	sst s9;
	s0 =	simm.s32 @!p0 $0x0  }
0x12: {  	s1 =	sld [smem:$0x3F9D];
	s0 =	simm.s32 @p0 $0x1  }
0x13: {  	[smem:$0x3FB8] =	sst s0;
	s0 =	simm.s32 @!p1 $0x0  }
0x14: {  	s2 =	sld [smem:$0x3F9C];
	s0 =	simm.s32 @p1 $0x1  }
0x15: {  	[smem:$0x3FB9] =	sst s0;
	s0 =	simm.s32 @!p2 $0x0  }
0x16: {  	s3 =	sld [smem:$0x3FDB];
	s0 =	simm.s32 @p2 $0x1  }
0x17: {  	s4 =	simm.s32 $0x1BF5;
	[smem:$0x3FBB] =	sst s0  }
0x18: {  	s0 =	sld [smem:$0x3F9E];
	_ =	swait.ge [sflag:s4], $0x0  }
0x19: {  	s7 =	sld [smem:$0x3F9F]  }
0x1a: {  	s8 =	sadd.s32 $0xFFFFE003, lr  }
0x1b: {  	s9 =	sadd.s32 $0xFFFFFEF7, lr;
	s5 =	simm.s32 $0xFFFFFFFF;
	p2 =	slt.u32 s8, $0xFFFFF086  }
0x1c: {  	p1 =	slt.u32 s9, $0xF7A;
	s5 =	simm.s32 @!p2 $0x0  }
0x1d: {  	s5 =	simm.s32 @p1 $0x1;
	p0 =	seq.s32 s7, s2  }
0x1e: {  	s7 =	smul.u32 @!p0 $0xF7A, s2;
	p2 =	seq.s32 @!p0 s5, $0x0  }
0x1f: {  	s9 =	smul.u32 $0xF7A, s1;
	s8 =	simm.s32 @!p0 $0x1BF5;
	p2 =	por !p2, p0  }
0x20: {  	[sflag:s8] =	ssyncset.s32 @!p0 $0xFFFFF086;
	s6 =	sadd.s32 @!p0 s3, s7;
	s7 =	simm.s32 @!p0 $0x108  }
0x21: {  	s3 =	sadd.s32 s3, s9;
	s6 =	sadd.s32 @!p0 $0x88, s6;
	s7 =	simm.s32 @p2 $0x1082  }
0x22: {  	[simem:s7], [sflag:s8] =	dma.local @!p0 [hbm:s6], $0xF7A  }
0x23: {  	s9 =	sor.u32 $0xD0000000, s2;
	s6 =	simm.s32 $0x108;
	_ =	swait.ge @!p0 [sflag:s8], $0x0  }
0x24: {  	s3 =	sadd.s32 $0x88, s3;
	s6 =	simm.s32 @!p1 $0x1082;
	[sflag:s4] =	ssyncset.s32 $0xFFFFF086  }
0x25: {  	[simem:s6], [sflag:s4] =	dma.local [hbm:s3], $0xF7A  }
0x26: {  	[smem:$0x3F9F] =	sst s1;
	(tag) =	ssettag s2;
	_ =	strace s9  }
0x27: {  	s1 =	sld [smem:$0x3FAF]  }
0x28: {  	s2 =	sld [smem:$0x3FB0]  }
0x29: {  	s4 =	sld [smem:$0x3FB2]  }
0x2a: {  	p0 =	seq.s32 s5, $0x0;
	s5 =	sld [smem:$0x3FB3]  }
0x2b: {  	s6 =	sld [smem:$0x3FB4]  }
0x2c: {  	s7 =	sld [smem:$0x3FB5]  }
0x2d: {  	s3 =	simm.s32 $0x108;
	s8 =	sld [smem:$0x3FB6]  }
0x2e: {  	s3 =	simm.s32 @!p0 $0x1082;
	s9 =	sld [smem:$0x3FB7]  }
0x2f: {  	lr =	sadd.s32 s0, s3;
	s0 =	sld [smem:$0x3FAE]  }
0x30: {  	s3 =	sld [smem:$0x3FB1]  }
0x31: {  	[smem:$0x3FBA] =	sst s10  }
0x32: {  	s10 =	sld [smem:$0x3FB8];
	_ =	sdelay $0x3  }
0x33: {  	p0 =	seq.s32 s10, $0x1;
	s10 =	sld [smem:$0x3FBA];
	_ =	sdelay $0x3  }
0x34: {  	[smem:$0x3FBA] =	sst s10  }
0x35: {  	s10 =	sld [smem:$0x3FB9];
	_ =	sdelay $0x3  }
0x36: {  	p1 =	seq.s32 s10, $0x1;
	s10 =	sld [smem:$0x3FBA];
	_ =	sdelay $0x3  }
0x37: {  	[smem:$0x3FBA] =	sst s10  }
0x38: {  	s10 =	sld [smem:$0x3FBB]  }
0x39: {  	_ = 	snop;
	(pc) =	sbr.ind lr, $3  }
0x3a: {  	_ = 	snop  }
0x3b: {  	_ = 	snop  }
0x3c: {  	p2 =	seq.s32 s10, $0x1;
	s10 =	sld [smem:$0x3FBA]  }
0x3d: {  	_ =	shalt  }
0x3e: {  	_ =	shalt  }
0x3f: {  	_ =	shalt  }
0x40: {  	_ =	shalt  }
0x41: {  	_ =	shalt  }
0x42: {  	_ =	shalt  }
0x43: {  	_ =	shalt  }
0x44: {  	_ =	shalt  }
0x45: {  	_ =	shalt  }
0x46: {  	_ =	shalt  }
0x47: {  	_ =	shalt  }
0x48: {  	_ =	shalt  }
0x49: {  	_ =	shalt  }
0x4a: {  	_ =	shalt  }
0x4b: {  	_ =	shalt  }
0x4c: {  	_ =	shalt  }
0x4d: {  	_ =	shalt  }
0x4e: {  	_ =	shalt  }
0x4f: {  	_ =	shalt  }
0x50: {  	_ =	shalt  }
0x51: {  	_ =	shalt  }
0x52: {  	_ =	shalt  }
0x53: {  	_ =	shalt  }
0x54: {  	_ =	shalt  }
0x55: {  	_ =	shalt  }
0x56: {  	_ =	shalt  }
0x57: {  	_ =	shalt  }
0x58: {  	_ =	shalt  }
0x59: {  	_ =	shalt  }
0x5a: {  	_ =	shalt  }
0x5b: {  	_ =	shalt  }
0x5c: {  	_ =	shalt  }
0x5d: {  	_ =	shalt  }
0x5e: {  	_ =	shalt  }
0x5f: {  	_ =	shalt  }
0x60: {  	_ =	shalt  }
0x61: {  	_ =	shalt  }
0x62: {  	_ =	shalt  }
0x63: {  	_ =	shalt  }
0x64: {  	_ =	shalt  }
0x65: {  	_ =	shalt  }
0x66: {  	_ =	shalt  }
0x67: {  	_ =	shalt  }
0x68: {  	_ =	shalt  }
0x69: {  	_ =	shalt  }
0x6a: {  	_ =	shalt  }
0x6b: {  	_ =	shalt  }
0x6c: {  	_ =	shalt  }
0x6d: {  	_ =	shalt  }
0x6e: {  	_ =	shalt  }
0x6f: {  	_ =	shalt  }
0x70: {  	_ =	shalt  }
0x71: {  	_ =	shalt  }
0x72: {  	_ =	shalt  }
0x73: {  	_ =	shalt  }
0x74: {  	_ =	shalt  }
0x75: {  	_ =	shalt  }
0x76: {  	_ =	shalt  }
0x77: {  	_ =	shalt  }
0x78: {  	_ =	shalt  }
0x79: {  	_ =	shalt  }
0x7a: {  	_ =	shalt  }
0x7b: {  	_ =	shalt  }
0x7c: {  	_ =	shalt  }
0x7d: {  	_ =	shalt  }
0x7e: {  	_ =	shalt  }
0x7f: {  	_ =	shalt  }
0x80: {  	_ =	shalt  }
0x81: {  	_ =	shalt  }
0x82: {  	_ =	shalt  }
0x83: {  	_ =	shalt  }
0x84: {  	_ =	shalt  }
0x85: {  	_ =	shalt  }
0x86: {  	_ =	shalt  }
0x87: {  	_ =	shalt  }
.Lfunc_end0:
.L_simem_size_0:
called_computation_lowered:
.L_overlay_start_0:
0x88: {  	s2 =	sld [smem:$0x3FD9]  }
0x89: {  	s3 =	sld [smem:$0x3FFE];
	_ =	sdelay $0x1  }
0x8a: {  	s1 =	srdreg.scid  }
0x8b: {  	s0 =	sand.u32 $0x1, s1  }
0x8c: {  	s17 =	sshll.u32 s0, $0xA;
	s2 =	sadd.s32 s3, s2  }
0x8d: {  	s2 =	sadd.s32 s2, s17  }
0x8e: {  	[smem:$0x3FC6] =	sst s2  }
0x8f: {  	_ = 	snop  }
0x90: {  	s2 =	sld [smem:$0x3FD0];
	(tm) =	ssettm $0x1  }
0x91: {  	s18 =	sld [smem:$0x3FFB];
	_ =	sdelay $0x3  }
0x92: {  	_ =	strace s18  }
0x93: {  	s3 =	sld [smem:$0x3FFC];
	_ =	sdelay $0x3  }
0x94: {  	_ =	strace s3  }
0x95: {  	s3 =	sld [smem:$0x3FFD];
	_ =	sdelay $0x3  }
0x96: {  	_ =	strace s3  }
0x97: {  	_ =	strace $0x8FFFFFFF  }
0x98: {  	s19 =	sld [smem:$0x3FDB];
	_ =	sdelay $0x1  }
0x99: {  	s4 =	simm.s32 $_scs_section_size  }
0x9a: {  	s5 =	simm.s32 $_size__tile_overlayer_lowered;
	s6 =	simm.s32 $_tile_overlayer_lowered  }
0x9b: {  	s22 =	simm.s32 $0x1BFF;
	s21 =	sshll.u32 s6, $0x1;
	s3 =	sadd.s32 s4, s19  }
0x9c: {  	s7 =	simm.s32 $0x0;
	s20 =	sshll.u32 s5, $0x1;
	s5 =	sadd.s32 s21, s3  }
0x9d: {  	[timem:s7], [sflag:s22] =	dma.local [hbm:s5], s20  }
0x9e: {  	_ =	swait.ge [sflag:s22], s20  }
0x9f: {  	s4 =	ssub.s32 $0x0, s20;
	[sflag:s22] =	ssyncset.done $0x0  }
0xa0: {  	[sflag:s22] =	ssyncadd.s32 s4;
	_ =	sdelay $0x1  }
0xa1: {  	s23 =	simm.s32 $0x1B8B  }
0xa2: {  	_ =	swait.ge [sflag:s23], $0x1  }
0xa3: {  	[sflag:s23] =	ssyncset.done $0x0  }
0xa4: {  	s25 =	simm.s32 $0x1B8E;
	s24 =	sld [smem:$0x3FFE];
	[sflag:s23] =	ssyncadd.s32 $0xFFFFFFFF  }
0xa5: {  	s26 =	simm.s32 $execute0_lowered;
	[smem:$0x3FD2] =	sst s25  }
0xa6: {  	s5 =	sshll.u32 s26, $0x1;
	_ =	strace $0x80000046;
	[dreg:$0x1] =	wrdreg $0xFFFFFFFF  }
0xa7: {  	s28 =	simm.s32 $_size_execute0_lowered;
	s3 =	sadd.s32 s3, s5;
	[dreg:$0x0] =	wrdreg $0x0  }
0xa8: {  	s5 =	sshll.u32 s28, $0x1;
	[dreg:$0x2] =	wrdreg s3  }
0xa9: {  	[dreg:$0x3] =	wrdreg s5  }
0xaa: {  	[dreg:$0x4] =	wrdreg $0xC0  }
0xab: {  	_ =	task [dreg:s7], $0x5FFFF  }
0xac: {  	[dreg:$0x1] =	wrdreg $0xFFFFFFFF  }
0xad: {  	[dreg:$0x0] =	wrdreg $0x60  }
0xae: {  	[dreg:$0x2] =	wrdreg s24  }
0xaf: {  	[dreg:$0x3] =	wrdreg s2  }
0xb0: {  	[dreg:$0x4] =	wrdreg $0x94000  }
0xb1: {  	[dreg:$0x5] =	wrdreg $0x9  }
0xb2: {  	_ =	task.clear_ibuf [dreg:s7], $0x6FFFF;
	_ =	strace $0x90000046  }
0xb3: {  	s29 =	simm.s32 $0x9;
	_ =	strace $0x80000048  }
0xb4: {  	_ =	swait.ge [sflag:s29], $0x1  }
0xb5: {  	[sflag:s29] =	ssyncadd.s32 $0xFFFFFFFF  }
0xb6: {  	_ =	strace $0x90000048  }
0xb7: {  	_ =	sfence  }
0xb8: {  	s30 =	sld [smem:$0x0];
	_ =	sdelay $0x2  }
0xb9: {  	s31 =	sshll.u32 s1, $0xD;
	s1 =	sshrl.u32 s1, $0x2  }
0xba: {  	s3 =	sand.u32 $0x4000, s31;
	s1 =	sadd.s32 s1, s30  }
0xbb: {  	s0 =	sor.u32 s3, s0;
	s1 =	sshll.u32 s1, $0x11  }
0xbc: {  	s0 =	sor.u32 s1, s0  }
0xbd: {  	s0 =	sadd.s32 $0x8F2B, s0  }
0xbe: {  	[sflag:s0] =	ssyncadd.remote.s32 $0x1  }
0xbf: {  	_ =	sfence.sel $0xFFFF  }
0xc0: {  	[dreg:$0x0] =	wrdreg $0xFFFFFFFF;
	(pc) =	sbr.abs _section_cstart, $3  }
0xc1: {  	[dreg:$0x1] =	wrdreg $0xFFFFFFFF  }
0xc2: {  	_ =	task.clear_ibuf [dreg:s7], $0x2FFFF;
	_ =	strace $0x9FFFFFFF  }
0xc3: {  	(tm) =	ssettm $0x7FFFFFFF  }
tec
execute0_lowered:
.L_overlay_start_1:
0x0: {  	(tag) =	ssettag $0x1  }
0x1: {  	s0 =	rddreg [dreg:$0x0]  }
0x2: {  	s1 =	rddreg [dreg:$0x1];
	s2 =	srdreg.scid  }
0x3: {  	s3 =	rddreg [dreg:$0x2];
	s13 =	stileid.u32  }
0x4: {  	s4 =	simm.s32 $0x0;
	s28 =	simm.s32 $0x80;
	s30 =	simm.s32 $0x8400  }
0x5: {  	s31 =	simm.s32 $0x11;
	s15 =	simm.s32 $0x6400;
	s5 =	smul.u32 $0x5000, s13  }
0x6: {  	s16 =	simm.s32 $0x380;
	s18 =	simm.s32 $0xC;
	s19 =	smul.u32 $0x4E000, s13  }
0x7: {  	s2 =	sand.u32 $0x1, s2;
	[smem:$0x7FF] =	sst s4;
	s22 =	smul.u32 $0x27000, s13  }
0x8: {  	s7 =	sadd.s32 $0xA000, s0;
	s8 =	sadd.s32 $0x1E000, s0;
	s24 =	smul.u32 $0x4E200, s13  }
0x9: {  	p0 =	sne.s32 s13, $0xF;
	s13 =	simm.s32 $0x9;
	s6 =	smul.u32 $0x50000, s2  }
0xa: {  	_ =	strace $0x80000047;
	s9 =	ssub.s32 $0x2, s2;
	s23 =	sshll.u32 s2, $0xA  }
0xb: {  	s2 =	sshll.u32 s2, $0x7;
	s11 =	sshrl.u32 s9, $0x1;
	s21 =	sshrl.u32 s5, $0x3  }
0xc: {  	s26 =	sshrl.u32 s24, $0x2;
	s24 =	simm.s32 $0xA;
	s6 =	sadd.s32 s5, s6  }
0xd: {  	s9 =	ssub.s32 s9, s11;
	s14 =	sadd.s32 s0, s21;
	s11 =	sor.u32 s23, s22  }
0xe: {  	s17 =	sadd.s32 s26, s3;
	s23 =	simm.s32 $0x40;
	s10 =	sshrl.u32 s6, $0x3  }
0xf: {  	[dreg:$0x7] =	wrdreg s14;
	s14 =	sadd.s32 $0x10, s14;
	s11 =	sshrl.u32 s11, $0x3  }
0x10: {  	s25 =	smax.u32 s9, $0x1;
	s9 =	simm.s32 $0x8;
	s12 =	sadd.s32 s7, s10  }
0x11: {  	[dreg:$0x8] =	wrdreg s14;
	s11 =	sadd.s32 s1, s11;
	s1 =	sadd.s32 s2, s1  }
0x12: {  	[dreg:$0xb] =	wrdreg s25;
	s2 =	simm.s32 $0x7;
	s25 =	simm.s32 $0xB  }
0x13: {  	s14 =	simm.s32 $0x300;
	s10 =	sadd.s32 $0x10, s12;
	[dreg:$0x4] =	wrdreg s12  }
0x14: {  	s20 =	sadd.s32 $0x20, s12;
	[dreg:$0x9] =	wrdreg s11;
	s11 =	sadd.s32 $0x138000, s3  }
.Ltmp0:
0x15: {  	s1 =	sadd.s32 $0x4E000, s1;
	[dreg:$0x5] =	wrdreg s10;
	(pc) =	sbr.rel .LBB2_1-.Ltmp0, $4  }
0x16: {  	s12 =	simm.s32 $0x2;
	[dreg:$0x6] =	wrdreg s20;
	s10 =	sshrl.u32 s19, $0x2  }
0x17: {  	[dreg:$0xa] =	wrdreg s1;
	s1 =	sshrl.u32 @!p0 s11, $0x3;
	s10 =	sadd.s32 s10, s3  }
0x18: {  	s20 =	simm.s32 $0x100;
	[dreg:$0xd] =	wrdreg s1;
	s29 =	sshrl.u32 s10, $0x3  }
0x19: {  	v0 =	vimm.f32 $0.0e+00;
	s1 =	simm.s32 $0x1;
	s10 =	simm.s32 $0x0;
	[dreg:$0xc] =	wrdreg s29  }
.LBB2_8:
0x1a: {  	s11 =	simm.s32 $0xD  }
0x1b: {  	_ =	swait.ge [sflag:s11], $0x2000  }
0x1c: {  	[sflag:s11] =	ssyncset.done $0x0  }
0x1d: {  	s20 =	simm.s32 $0xE;
	[sflag:s11] =	ssyncadd.s32 $0xFFFFE000  }
0x1e: {  	_ =	swait.ge [sflag:s20], $0x2000  }
0x1f: {  	[sflag:s20] =	ssyncset.done $0x0  }
0x20: {  	s21 =	simm.s32 $0xF;
	[sflag:s20] =	ssyncadd.s32 $0xFFFFE000  }
0x21: {  	_ =	swait.ge [sflag:s21], $0x2000  }
0x22: {  	[sflag:s21] =	ssyncset.done $0x0  }
0x23: {  	s22 =	simm.s32 $0x10;
	[sflag:s21] =	ssyncadd.s32 $0xFFFFE000  }
0x24: {  	_ =	swait.ge [sflag:s22], $0x2000  }
0x25: {  	[sflag:s22] =	ssyncset.done $0x0  }
0x26: {  	[sflag:s22] =	ssyncadd.s32 $0xFFFFE000  }
0x27: {  	s19 =	stileid.u32;
	[bflag:$0x0] =	sbarrier.arrive $0xFFFF  }
0x28: {  	s19 =	sshll.u32 s19, $0x6;
	s20 =	rddreg [dreg:$0x9]  }
0x29: {  	s28 =	simm.s32 $0x80;
	s19 =	sor.u32 $0x1C11, s19;
	s21 =	rddreg [dreg:$0xc]  }
0x2a: {  	[hbm:s20@s10], [sflag:s19] =	dma.strided [spmem:s21@s28], $0x2700, s9, $0x10   }
0x2b: {  	s22 =	simm.s32 @!p0 $0x80;
	_ =	swait.ge [sflag:s31], $0x2700  }
0x2c: {  	s20 =	simm.s32 @!p0 $0x8;
	[sflag:s31] =	ssyncset.done $0x0;
	s26 =	rddreg [dreg:$0xa]  }
0x2d: {  	s21 =	simm.s32 @!p0 $0x100;
	s10 =	rddreg [dreg:$0xd];
	[sflag:s31] =	ssyncadd.s32 $0xFFFFD900  }
0x2e: {  	[hbm:s26@s21], [sflag:s19] =	dma.strided @!p0 [spmem:s10@s22], $0x100, s20, $0x10   }
0x2f: {  	s19 =	simm.s32 @!p0 $0x11  }
0x30: {  	_ =	swait.ge @!p0 [sflag:s19], $0x100  }
0x31: {  	s26 =	rddreg [dreg:$0xe]  }
0x32: {  	s29 =	rddreg [dreg:$0xb];
	s10 =	sadd.s32 $0x1, s26  }
0x33: {  	p1 =	sne.s32 s10, s29  }
.Ltmp1:
0x34: {  	_ = 	snop;
	(pc) =	sbr.rel @!p1 .LBB2_9-.Ltmp1, $3  }
0x35: {  	_ =	sdelay $0x1  }
0x36: {  	[sflag:s19] =	ssyncset.done @!p0 $0x0  }
0x37: {  	s20 =	simm.s32 $0x100;
	[sflag:s19] =	ssyncadd.s32 @!p0 $0xFFFFFF00  }
.LBB2_1:
0x38: {  	[dreg:$0xe] =	wrdreg s10  }
0x39: {  	s19 =	rddreg [dreg:$0x4]  }
0x3a: {  	[tilespmem:s4], [sflag:$0x5] =	stream.linear.gather [hbm4b:s19+s4], $0x80, $0x38;
	[tilespmem:$0x1CCC0] =	vst v63  }
0x3b: {  	s21 =	rddreg [dreg:$0x5]  }
0x3c: {  	[tilespmem:s28], [sflag:$0x6] =	stream.linear.gather [hbm4b:s21+s4], $0x80, $0x38;
	[tilespmem:$0x1CCC0] =	vst v63  }
0x3d: {  	s22 =	rddreg [dreg:$0x6]  }
0x3e: {  	[tilespmem:s20], [sflag:$0x7] =	stream.linear.gather [hbm4b:s22+s4], $0x80, $0x38;
	[tilespmem:$0x1CCC0] =	vst v63  }
0x3f: {  	s26 =	rddreg [dreg:$0x7];
	s29 =	simm.s32 $0x200  }
0x40: {  	[tilespmem:s29], [sflag:$0x9] =	stream.linear.gather [hbm4b:s26+s4], $0x80, $0x38;
	[tilespmem:$0x1CCC0] =	vst v63  }
0x41: {  	s10 =	rddreg [dreg:$0x8];
	s11 =	simm.s32 $0x280;
	s21 =	simm.s32 $0x5  }
0x42: {  	[tilespmem:s11], [sflag:$0xA] =	stream.linear.gather [hbm4b:s10+s4], $0x80, $0x38;
	[tilespmem:$0x1CCC0] =	vst v63  }
0x43: {  	_ =	swait.ge [sflag:s21], $0x80  }
0x44: {  	[sflag:s21] =	ssyncset.done $0x0  }
0x45: {  	s22 =	simm.s32 $0x400;
	s26 =	simm.s32 $0x6;
	[sflag:s21] =	ssyncadd.s32 $0xFFFFFF80  }
0x46: {  	[tilespmem:s22], [sflag:$0x1] =	stream.indirect.gather [hbm4b:s8+s23], $0x80, s4, s23, $0xb8;
	[tilespmem:$0x1CCC0] =	vst v63  }
0x47: {  	_ =	swait.ge [sflag:s26], $0x80  }
0x48: {  	[sflag:s26] =	ssyncset.done $0x0  }
0x49: {  	s29 =	simm.s32 $0x2400;
	[sflag:s26] =	ssyncadd.s32 $0xFFFFFF80  }
0x4a: {  	[tilespmem:s29], [sflag:$0x2] =	stream.indirect.gather [hbm4b:s8+s23], $0x80, s28, s23, $0xb8;
	[tilespmem:$0x1CCC0] =	vst v63  }
0x4b: {  	s22 =	simm.s32 $0x200;
	s28 =	simm.s32 $0x0  }
.LBB2_2:
0x4c: {  	p1 =	seq.s32 s22, $0x3000;
	[tilespmem:s28+$0x8470] =	vst v0  }
0x4d: {  	[tilespmem:s28+$0x8400] =	vst v0  }
0x4e: {  	[tilespmem:s28+$0x8410] =	vst v0  }
.Ltmp2:
0x4f: {  	[tilespmem:s28+$0x8420] =	vst v0;
	(pc) =	sbr.rel @!p1 .LBB2_2-.Ltmp2, $4  }
0x50: {  	[tilespmem:s28+$0x8430] =	vst v0  }
0x51: {  	[tilespmem:s28+$0x8440] =	vst v0  }
0x52: {  	[tilespmem:s28+$0x8450] =	vst v0  }
0x53: {  	[tilespmem:s28+$0x8460] =	vst v0;
	s28 =	sshra.s32 s22, $0x2;
	s22 =	sadd.s32 $0x200, s22  }
0x54: {  	[tilespmem:s28+$0x8470] =	vst v0  }
0x55: {  	[tilespmem:s28+$0x8400] =	vst v0  }
0x56: {  	[tilespmem:s28+$0x8410] =	vst v0  }
0x57: {  	[tilespmem:s28+$0x8420] =	vst v0  }
0x58: {  	[tilespmem:s28+$0x8430] =	vst v0  }
0x59: {  	[tilespmem:s28+$0x8440] =	vst v0  }
0x5a: {  	[tilespmem:s28+$0x8450] =	vst v0  }
0x5b: {  	[tilespmem:s28+$0x8460] =	vst v0;
	s22 =	sadd.s32 $0x0, s17  }
0x5c: {  	[spmem:s22] =	stream.linear.scatter [tilespmem:s30], [sflag:$0x11], $0xC80, $0x38;
	[tilespmem:$0x1CCC0] =	vst v63  }
0x5d: {  	s22 =	simm.s32 $0x3200;
	_ =	swait.ge [sflag:s31], $0xC80  }
.LBB2_4:
0x5e: {  	s28 =	sshra.s32 s22, $0x2;
	[sflag:s31] =	ssyncset.done $0x0;
	p1 =	sne.s32 s22, $0x4B000  }
.Ltmp3:
0x5f: {  	s28 =	sadd.s32 s28, s17;
	[sflag:s31] =	ssyncadd.s32 $0xFFFFF380;
	(pc) =	sbr.rel @p1 .LBB2_4-.Ltmp3, $3  }
0x60: {  	[spmem:s28] =	stream.linear.scatter [tilespmem:s30], [sflag:$0x11], $0xC80, $0x38;
	[tilespmem:$0x1CCC0] =	vst v63  }
0x61: {  	s22 =	sadd.s32 $0x3200, s22;
	_ =	sdelay $0x1  }
0x62: {  	_ =	swait.ge [sflag:s31], $0xC80  }
0x63: {  	[sflag:s31] =	ssyncset.done $0x0  }
0x64: {  	[sflag:s31] =	ssyncadd.s32 $0xFFFFF380  }
0x65: {  	s28 =	simm.s32 $0x0;
	[bflag:$0x0] =	sbarrier.arrive $0xFFFF  }
.LBB2_6:
0x66: {  	_ =	swait.ge [sflag:s1], $0x2000  }
0x67: {  	[sflag:s1] =	ssyncset.done $0x0  }
0x68: {  	[sflag:s1] =	ssyncadd.s32 $0xFFFFE000  }
0x69: {  	_ =	swait.ge [sflag:s2], $0x80  }
0x6a: {  	p1 =	seq.s32 s28, $0x0;
	[sflag:s2] =	ssyncset.done $0x0  }
0x6b: {  	s22 =	simm.s32 @!p1 $0xF;
	[sflag:s2] =	ssyncadd.s32 $0xFFFFFF80  }
0x6c: {  	_ =	swait.ge @!p1 [sflag:s22], $0x2000  }
0x6d: {  	[sflag:s22] =	ssyncset.done @!p1 $0x0  }
0x6e: {  	s11 =	simm.s32 $0x4400;
	[sflag:s22] =	ssyncadd.s32 @!p1 $0xFFFFE000  }
0x6f: {  	[tilespmem:s11], [sflag:$0x3] =	stream.indirect.gather [hbm4b:s8+s23], $0x80, s20, s23, $0xb8;
	[tilespmem:$0x1CCC0] =	vst v63  }
0x70: {  	s20 =	sand.u32 $0x7C00, s28  }
0x71: {  	s21 =	sand.u32 $0x200, s28;
	s29 =	sadd.s32 s5, s20  }
0x72: {  	s26 =	sor.u32 s29, s21  }
0x73: {  	s26 =	sshrl.u32 s26, $0x3  }
0x74: {  	s26 =	sadd.s32 s26, s0  }
0x75: {  	s26 =	sadd.s32 $0x20, s26  }
0x76: {  	[tilespmem:s14], [sflag:$0xB] =	stream.linear.gather [hbm4b:s26+s4], $0x80, $0x38;
	[tilespmem:$0x1CCC0] =	vst v63  }
0x77: {  	s22 =	sadd.s32 s6, s20;
	s21 =	sor.u32 $0x180, s21;
	_ =	swait.ge [sflag:s13], $0x80  }
0x78: {  	s10 =	simm.s32 $0x200;
	s22 =	sor.u32 s21, s22;
	[sflag:s13] =	ssyncset.done $0x0  }
0x79: {  	s19 =	simm.s32 $0x400;
	s22 =	sshrl.u32 s22, $0x3;
	[sflag:s13] =	ssyncadd.s32 $0xFFFFFF80  }
0x7a: {  	[spmem:s3] =	stream.indirect.scatter.add.f32 [tilespmem:s19], [sflag:$0xD], $0x80, s10, s23, $0xb8;
	[tilespmem:$0x1CCC0] =	vst v63  }
0x7b: {  	s22 =	sadd.s32 s7, s22;
	s19 =	simm.s32 $0x180  }
0x7c: {  	[tilespmem:s19], [sflag:$0x8] =	stream.linear.gather [hbm4b:s22+s4], $0x80, $0x38;
	[tilespmem:$0x1CCC0] =	vst v63  }
0x7d: {  	_ =	swait.ge [sflag:s12], $0x2000  }
0x7e: {  	[sflag:s12] =	ssyncset.done $0x0  }
0x7f: {  	[sflag:s12] =	ssyncadd.s32 $0xFFFFE000  }
0x80: {  	_ =	swait.ge [sflag:s9], $0x80  }
0x81: {  	[sflag:s9] =	ssyncset.done $0x0  }
0x82: {  	s22 =	simm.s32 @!p1 $0x10;
	[sflag:s9] =	ssyncadd.s32 $0xFFFFFF80  }
0x83: {  	_ =	swait.ge @!p1 [sflag:s22], $0x2000  }
0x84: {  	s20 =	sor.u32 s21, s29;
	[sflag:s22] =	ssyncset.done @!p1 $0x0  }
0x85: {  	s20 =	sshrl.u32 s20, $0x3;
	[sflag:s22] =	ssyncadd.s32 @!p1 $0xFFFFE000  }
0x86: {  	[tilespmem:s15], [sflag:$0x4] =	stream.indirect.gather [hbm4b:s8+s23], $0x80, s19, s23, $0xb8;
	[tilespmem:$0x1CCC0] =	vst v63  }
0x87: {  	s20 =	sadd.s32 s0, s20;
	p1 =	sne.s32 s28, $0x4E00  }
0x88: {  	[tilespmem:s16], [sflag:$0xC] =	stream.linear.gather [hbm4b:s20+s4], $0x80, $0x38;
	[tilespmem:$0x1CCC0] =	vst v63  }
0x89: {  	s20 =	sadd.s32 @p1 $0x200, s28  }
0x8a: {  	s29 =	simm.s32 $0x2400;
	_ =	swait.ge [sflag:s24], $0x80;
	s21 =	sand.u32 @p1 $0xFC00, s20  }
0x8b: {  	s20 =	sand.u32 @p1 $0x200, s20;
	[sflag:s24] =	ssyncset.done $0x0;
	s22 =	sadd.s32 @p1 s6, s21  }
0x8c: {  	s26 =	simm.s32 $0x280;
	[sflag:s24] =	ssyncadd.s32 $0xFFFFFF80;
	s22 =	sor.u32 @p1 s20, s22  }
0x8d: {  	[spmem:s3] =	stream.indirect.scatter.add.f32 [tilespmem:s29], [sflag:$0xE], $0x80, s26, s23, $0xb8;
	[tilespmem:$0x1CCC0] =	vst v63  }
0x8e: {  	s22 =	sshrl.u32 @p1 s22, $0x3  }
0x8f: {  	s26 =	simm.s32 @p1 $0x0;
	s22 =	sadd.s32 @p1 s7, s22  }
0x90: {  	[tilespmem:s26], [sflag:$0x5] =	stream.linear.gather @p1 [hbm4b:s22+s26], $0x80, $0x38;
	[tilespmem:$0x1CCC0] =	vst v63  }
0x91: {  	s22 =	simm.s32 @p1 $0x3  }
0x92: {  	_ =	swait.ge @p1 [sflag:s22], $0x2000  }
0x93: {  	[sflag:s22] =	ssyncset.done @p1 $0x0  }
0x94: {  	[sflag:s22] =	ssyncadd.s32 @p1 $0xFFFFE000;
	s22 =	simm.s32 @p1 $0x5  }
0x95: {  	_ =	swait.ge @p1 [sflag:s22], $0x80  }
0x96: {  	[sflag:s22] =	ssyncset.done @p1 $0x0  }
0x97: {  	[sflag:s22] =	ssyncadd.s32 @p1 $0xFFFFFF80;
	s22 =	simm.s32 @p1 $0xD  }
0x98: {  	s21 =	sadd.s32 @p1 s5, s21;
	_ =	swait.ge @p1 [sflag:s22], $0x2000  }
0x99: {  	s20 =	sor.u32 @p1 s20, s21;
	s29 =	simm.s32 @p1 $0x400;
	[sflag:s22] =	ssyncset.done @p1 $0x0  }
0x9a: {  	s20 =	sshrl.u32 @p1 s20, $0x3;
	[sflag:s22] =	ssyncadd.s32 @p1 $0xFFFFE000;
	s22 =	simm.s32 @p1 $0x40  }
0x9b: {  	[tilespmem:s29], [sflag:$0x1] =	stream.indirect.gather @p1 [hbm4b:s8+s22], $0x80, s26, s22, $0xb8;
	[tilespmem:$0x1CCC0] =	vst v63  }
0x9c: {  	s21 =	simm.s32 @p1 $0x200;
	s20 =	sadd.s32 @p1 s0, s20  }
0x9d: {  	[tilespmem:s21], [sflag:$0x9] =	stream.linear.gather @p1 [hbm4b:s20+s26], $0x80, $0x38;
	[tilespmem:$0x1CCC0] =	vst v63  }
0x9e: {  	s20 =	simm.s32 @!p1 $0x3  }
0x9f: {  	_ =	swait.ge @!p1 [sflag:s20], $0x2000  }
0xa0: {  	[sflag:s20] =	ssyncset.done @!p1 $0x0  }
0xa1: {  	[sflag:s20] =	ssyncadd.s32 @!p1 $0xFFFFE000;
	s20 =	sadd.s32 @p1 $0x280, s28  }
0xa2: {  	_ =	swait.ge [sflag:s25], $0x80;
	s21 =	sand.u32 @p1 $0xFC00, s20  }
0xa3: {  	s20 =	sand.u32 @p1 $0x280, s20;
	[sflag:s25] =	ssyncset.done $0x0;
	s29 =	sadd.s32 @p1 s6, s21  }
0xa4: {  	[sflag:s25] =	ssyncadd.s32 $0xFFFFFF80;
	s29 =	sor.u32 @p1 s20, s29  }
0xa5: {  	[spmem:s3] =	stream.indirect.scatter.add.f32 [tilespmem:s11], [sflag:$0xF], $0x80, s14, s23, $0xb8;
	[tilespmem:$0x1CCC0] =	vst v63  }
0xa6: {  	s29 =	sshrl.u32 @p1 s29, $0x3  }
0xa7: {  	s19 =	simm.s32 @p1 $0x80;
	s29 =	sadd.s32 @p1 s7, s29  }
0xa8: {  	[tilespmem:s19], [sflag:$0x6] =	stream.linear.gather @p1 [hbm4b:s29+s26], $0x80, $0x38;
	[tilespmem:$0x1CCC0] =	vst v63  }
0xa9: {  	s29 =	simm.s32 @p1 $0x4  }
0xaa: {  	_ =	swait.ge @p1 [sflag:s29], $0x2000  }
0xab: {  	[sflag:s29] =	ssyncset.done @p1 $0x0  }
0xac: {  	[sflag:s29] =	ssyncadd.s32 @p1 $0xFFFFE000;
	s29 =	simm.s32 @p1 $0x6  }
0xad: {  	_ =	swait.ge @p1 [sflag:s29], $0x80  }
0xae: {  	[sflag:s29] =	ssyncset.done @p1 $0x0  }
0xaf: {  	[sflag:s29] =	ssyncadd.s32 @p1 $0xFFFFFF80;
	s29 =	simm.s32 @p1 $0xE  }
0xb0: {  	_ =	swait.ge @p1 [sflag:s29], $0x2000  }
0xb1: {  	[sflag:s29] =	ssyncset.done @p1 $0x0  }
0xb2: {  	[sflag:s29] =	ssyncadd.s32 @p1 $0xFFFFE000;
	s29 =	simm.s32 @p1 $0x2400  }
0xb3: {  	[tilespmem:s29], [sflag:$0x2] =	stream.indirect.gather @p1 [hbm4b:s8+s22], $0x80, s19, s22, $0xb8;
	[tilespmem:$0x1CCC0] =	vst v63  }
0xb4: {  	s19 =	sadd.s32 @p1 s5, s21  }
0xb5: {  	s19 =	sor.u32 @p1 s20, s19  }
0xb6: {  	s19 =	sshrl.u32 @p1 s19, $0x3  }
0xb7: {  	s20 =	simm.s32 @p1 $0x280;
	s19 =	sadd.s32 @p1 s0, s19  }
0xb8: {  	[tilespmem:s20], [sflag:$0xA] =	stream.linear.gather @p1 [hbm4b:s19+s26], $0x80, $0x38;
	[tilespmem:$0x1CCC0] =	vst v63  }
0xb9: {  	s19 =	simm.s32 @!p1 $0x4  }
0xba: {  	_ =	swait.ge @!p1 [sflag:s19], $0x2000  }
0xbb: {  	[sflag:s19] =	ssyncset.done @!p1 $0x0  }
0xbc: {  	[sflag:s19] =	ssyncadd.s32 @!p1 $0xFFFFE000;
	p1 =	seq.s32 s28, $0x4E00  }
.Ltmp4:
0xbd: {  	_ = 	snop;
	(pc) =	sbr.rel @p1 .LBB2_8-.Ltmp4, $4  }
0xbe: {  	_ =	swait.ge [sflag:s18], $0x80  }
0xbf: {  	[sflag:s18] =	ssyncset.done $0x0  }
0xc0: {  	s10 =	simm.s32 $0x100;
	[sflag:s18] =	ssyncadd.s32 $0xFFFFFF80  }
0xc1: {  	[spmem:s3] =	stream.indirect.scatter.add.f32 [tilespmem:s15], [sflag:$0x10], $0x80, s16, s23, $0xb8;
	[tilespmem:$0x1CCC0] =	vst v63  }
0xc2: {  	s19 =	sadd.s32 $0x300, s28  }
0xc3: {  	s20 =	sand.u32 $0xFC00, s19  }
.Ltmp5:
0xc4: {  	s19 =	sand.u32 $0x300, s19;
	s20 =	sadd.s32 s6, s20;
	(pc) =	sbr.rel .LBB2_6-.Ltmp5, $4  }
0xc5: {  	s19 =	sor.u32 s19, s20  }
0xc6: {  	s19 =	sshrl.u32 s19, $0x3  }
0xc7: {  	s28 =	sadd.s32 $0x200, s28;
	s20 =	simm.s32 $0x100;
	s19 =	sadd.s32 s7, s19  }
0xc8: {  	[tilespmem:s10], [sflag:$0x7] =	stream.linear.gather [hbm4b:s19+s4], $0x80, $0x38;
	[tilespmem:$0x1CCC0] =	vst v63  }
.LBB2_9:
0xc9: {  	_ =	sfence.sel $0x180000  }
0xca: {  	[bflag:$0x0] =	sbarrier.arrive $0xFFFF  }
0xcb: {  	_ =	strace $0x90000047  }
0xcc: {  	s0 =	stileid.u32;
	[bflag:$0x2] =	sbarrier.arrive $0xFFFF  }
0xcd: {  	p0 =	sne.s32 s0, $0x0;
	s0 =	rddreg [dreg:$0x3]  }
0xce: {  	s0 =	sadd.s32 @!p0 $0x100000, s0  }
0xcf: {  	[sflag:s0] =	ssyncadd.tile.s32 @!p0 $0x1;
	_ =	shalt  }
.Lfunc_end2:
_tile_overlayer_lowered:
.L_overlay_start_2:
0xd0: {  	(tag) =	ssettag $0x2  }
0xd1: {  	s0 =	rddreg [dreg:$0x0];
	s2 =	stileid.u32  }
0xd2: {  	s1 =	rddreg [dreg:$0x1];
	p0 =	sne.s32 s2, $0x0  }
0xd3: {  	s3 =	rddreg [dreg:$0x2];
	[bflag:$0x3] =	sbarrier.arrive $0xFFFF;
	s2 =	simm.s32 @!p0 $0x1C11  }
0xd4: {  	[timem:s3], [sflag:s2] =	dma.local @!p0 [hbm:s0], s1  }
0xd5: {  	s0 =	simm.s32 @!p0 $0x11  }
0xd6: {  	_ =	swait.ge @!p0 [sflag:s0], s1  }
0xd7: {  	s1 =	ssub.s32 @!p0 $0x0, s1;
	[sflag:s0] =	ssyncset.done @!p0 $0x0  }
0xd8: {  	[sflag:s0] =	ssyncadd.s32 @!p0 s1  }
0xd9: {  	[bflag:$0x3] =	sbarrier.arrive $0xFFFF  }
0xda: {  	_ =	shalt  }

</sc_bundles>
